<compile_context>
chip_gen: v7x
topology: tpu7x:2x2x1
jax: 0.10.2.dev20260603
libtpu: 0.0.44.dev20260713+nightly
codegen_flags: <defaults>
</compile_context>

<pallas_src>
import functools
import math

import jax
import jax.numpy as jnp
import numpy as np
from jax import lax
from jax.experimental import pallas as pl
from jax.experimental.pallas import tpu as pltpu
from jax.experimental.pallas import tpu_sc as plsc

_VOCAB = 151936
_HIDDEN = 896
_HEAD_DIM = 64
_ROPE_THETA = 1000000.0
_BATCH = 4
_SEQ = 8192

_NC = 2
_NS = 16
_NW = _NC * _NS

_N_IDS = _BATCH * _SEQ
_PER_W = _N_IDS // _NW
_CHUNK = 64
_NCH = _PER_W // _CHUNK


def _gather_body(table_hbm, ids_hbm, out_hbm, idx_v, buf0, buf1, sem0, sem1):
    wid = lax.axis_index("s") * _NC + lax.axis_index("c")
    base = wid * _PER_W
    pltpu.sync_copy(ids_hbm.at[pl.ds(base, _PER_W)], idx_v)

    def start(chunk, buf, sem):
        off = pl.multiple_of(chunk * _CHUNK, _CHUNK)
        return pltpu.async_copy(table_hbm.at[idx_v.at[pl.ds(off, _CHUNK)]], buf, sem)

    def flush(chunk, buf):
        off = pl.multiple_of(chunk * _CHUNK, _CHUNK)
        pltpu.sync_copy(buf, out_hbm.at[pl.ds(base + off, _CHUNK)])

    def wait(buf, sem):
        pltpu.make_async_copy(table_hbm.at[idx_v.at[pl.ds(0, _CHUNK)]], buf, sem).wait()

    start(0, buf0, sem0)
    start(1, buf1, sem1)

    def body(j, carry):
        c = j * 2
        wait(buf0, sem0)
        flush(c, buf0)
        start(c + 2, buf0, sem0)
        wait(buf1, sem1)
        flush(c + 1, buf1)
        start(c + 3, buf1, sem1)
        return carry

    lax.fori_loop(0, _NCH // 2 - 1, body, 0)
    wait(buf0, sem0)
    flush(_NCH - 2, buf0)
    wait(buf1, sem1)
    flush(_NCH - 1, buf1)


_gather = pl.kernel(
    _gather_body,
    mesh=plsc.VectorSubcoreMesh(core_axis_name="c", subcore_axis_name="s"),
    out_type=jax.ShapeDtypeStruct((_N_IDS, _HIDDEN), jnp.float32),
    scratch_types=[
        pltpu.VMEM((_PER_W,), jnp.int32),
        pltpu.VMEM((_CHUNK, _HIDDEN), jnp.float32),
        pltpu.VMEM((_CHUNK, _HIDDEN), jnp.float32),
        pltpu.SemaphoreType.DMA,
        pltpu.SemaphoreType.DMA,
    ],
)


_SHI = 128
_SLO = 64

_INV_FREQ = 1.0 / (_ROPE_THETA ** (np.arange(0, _HEAD_DIM, 2, dtype=np.float64) / _HEAD_DIM))
_W = np.concatenate([_INV_FREQ, _INV_FREQ])
_HI_ANG = (np.arange(_SHI, dtype=np.float64) * _SLO)[:, None, None] * _W[None, None, :]
_LO_ANG = np.arange(_SLO, dtype=np.float64)[None, :, None] * _W[None, None, :]
_COS_HI = np.cos(_HI_ANG).astype(np.float32)
_SIN_HI = np.sin(_HI_ANG).astype(np.float32)
_COS_LO = np.cos(_LO_ANG).astype(np.float32)
_SIN_LO = np.sin(_LO_ANG).astype(np.float32)


def _rope_body(ch, sh, cl, sl, cos_ref, sin_ref):
    chv, shv, clv, slv = ch[...], sh[...], cl[...], sl[...]
    cos_ref[...] = chv * clv - shv * slv
    sin_ref[...] = shv * clv + chv * slv


_rope = pl.pallas_call(
    _rope_body,
    out_shape=(
        jax.ShapeDtypeStruct((_SHI, _SLO, _HEAD_DIM), jnp.float32),
        jax.ShapeDtypeStruct((_SHI, _SLO, _HEAD_DIM), jnp.float32),
    ),
)


def kernel(input_ids, embed_tokens):
    ids_flat = input_ids.reshape(-1)
    hidden = _gather(embed_tokens, ids_flat).reshape(_BATCH, _SEQ, _HIDDEN)
    cos, sin = _rope(
        jnp.asarray(_COS_HI), jnp.asarray(_SIN_HI),
        jnp.asarray(_COS_LO), jnp.asarray(_SIN_LO),
    )
    return (
        hidden,
        cos.reshape(1, _SEQ, _HEAD_DIM),
        sin.reshape(1, _SEQ, _HEAD_DIM),
    )

# --- scband reference (transcript-rebuilt; emitter-appended) ---
"""Pipeline reference for scband-model-50732153700379 (READ-ONLY COPY).

The authoritative reference and input builder live on the scoring server;
editing this copy changes nothing except your own understanding.
"""

import jax, jax.numpy as jnp
import numpy as np

VOCAB = 151936
HIDDEN = 896
N_HEADS = 14
HEAD_DIM = HIDDEN // N_HEADS  # 64
ROPE_THETA = 1000000.0
BATCH = 4
SEQ = 8192


def setup_inputs(seed: int = 0) -> dict:
    key = jax.random.key(seed)
    k1, k2 = jax.random.split(key)
    input_ids = jax.random.randint(k1, (BATCH, SEQ), 0, VOCAB, dtype=jnp.int32)
    embed_tokens = jax.random.normal(k2, (VOCAB, HIDDEN), dtype=jnp.float32) * 0.02
    return {"input_ids": input_ids, "embed_tokens": embed_tokens}


def reference(input_ids, embed_tokens):
    # Embedding lookup (SparseCore gather)
    inputs_embeds = jnp.take(embed_tokens, input_ids, axis=0)
    # past_key_values is None at prefill -> past_seen_tokens = 0
    past_seen_tokens = 0
    cache_position = jnp.arange(past_seen_tokens, past_seen_tokens + inputs_embeds.shape[1])
    position_ids = cache_position[None, :]  # [1, S]
    hidden_states = inputs_embeds
    # RotaryEmbedding: standard HF rotary, dim = head_dim
    inv_freq = 1.0 / (ROPE_THETA ** (jnp.arange(0, HEAD_DIM, 2, dtype=jnp.float32) / HEAD_DIM))  # [HEAD_DIM//2]
    freqs = position_ids[:, :, None].astype(jnp.float32) * inv_freq[None, None, :]  # [1, S, HEAD_DIM//2]
    emb = jnp.concatenate([freqs, freqs], axis=-1)  # [1, S, HEAD_DIM]
    cos = jnp.cos(emb).astype(hidden_states.dtype)
    sin = jnp.sin(emb).astype(hidden_states.dtype)
    return hidden_states, cos, sin

if __name__ == "__main__":
    import jax
    _d = setup_inputs()
    print(jax.jit(kernel)(*tuple(_d.values())))

</pallas_src>

<mosaic_0001>
#map = affine_map<(d0, d1) -> (0, 0)>
#map1 = affine_map<(d0, d1) -> (0)>
module attributes {stable_mosaic.version = 14 : i64} {
  func.func @_gather_body(%arg0: i32, %arg1: i32, %arg2: memref<151936x896xf32, #tpu.memory_space<hbm>>, %arg3: memref<32768xi32, #tpu.memory_space<hbm>>, %arg4: memref<32768x896xf32, #tpu.memory_space<hbm>>, %arg5: memref<1024xi32, #tpu.memory_space<vmem>>, %arg6: memref<64x896xf32, #tpu.memory_space<vmem>>, %arg7: memref<64x896xf32, #tpu.memory_space<vmem>>, %arg8: memref<!tpu.dma_semaphore, #tpu.memory_space<semaphore_mem>>, %arg9: memref<!tpu.dma_semaphore, #tpu.memory_space<semaphore_mem>>) attributes {dimension_semantics = [#tpu.dimension_semantics<core_parallel>, #tpu.dimension_semantics<subcore_parallel>], iteration_bounds = array<i64: 2, 16>, scalar_prefetch = 0 : i64, scratch_operands = 5 : i64, tpu.core_type = #tpu.core_type<sc_vector_subcore>, window_params = [{transform_indices = #map}, {transform_indices = #map1}, {transform_indices = #map}]} {
    %mul3A = arith.constant 2 : i32
    %mul3A_0 = arith.muli %arg1, %mul3A : i32
    %add3A = arith.addi %mul3A_0, %arg0 : i32
    %mul3A_1 = arith.constant 1024 : i32
    %mul3A_2 = arith.muli %add3A, %mul3A_1 : i32
    "tpu.region"() ({
      %run_scoped3A = tpu.sem_alloc : memref<!tpu.dma_semaphore, #tpu.memory_space<semaphore_mem>>
      %dma_start3A_33 = tpu.memref_slice %arg3[%mul3A_2] : memref<32768xi32, #tpu.memory_space<hbm>> -> memref<1024xi32, #tpu.memory_space<hbm>>
      %dma_start3A_34 = tpu.memref_slice %arg3[%mul3A_2] : memref<32768xi32, #tpu.memory_space<hbm>> -> memref<1024xi32, #tpu.memory_space<hbm>>
      tpu.enqueue_dma source(%dma_start3A_34 : memref<1024xi32, #tpu.memory_space<hbm>>) target(%arg5 : memref<1024xi32, #tpu.memory_space<vmem>>) target_semaphore(%run_scoped3A : memref<!tpu.dma_semaphore, #tpu.memory_space<semaphore_mem>>)
      %dma_wait3A_35 = tpu.memref_slice %arg3[%mul3A_2] : memref<32768xi32, #tpu.memory_space<hbm>> -> memref<1024xi32, #tpu.memory_space<hbm>>
      %dma_wait3A_36 = tpu.memref_slice %arg3[%mul3A_2] : memref<32768xi32, #tpu.memory_space<hbm>> -> memref<1024xi32, #tpu.memory_space<hbm>>
      tpu.wait_dma2 semaphore(%run_scoped3A : memref<!tpu.dma_semaphore, #tpu.memory_space<semaphore_mem>>) src(%dma_wait3A_36 : memref<1024xi32, #tpu.memory_space<hbm>>) dst(%arg5 : memref<1024xi32, #tpu.memory_space<vmem>>)
      tpu.yield
    }) : () -> ()
    %multiple_of3A = arith.constant 0 : i32
    %multiple_of3A_3 = tpu.assume_multiple %multiple_of3A, 64 : i32
    %dma_start3A = tpu.memref_slice %arg5[%multiple_of3A_3] : memref<1024xi32, #tpu.memory_space<vmem>> -> memref<64xi32, #tpu.memory_space<vmem>>
    %dma_start3A_4 = arith.constant 0 : i32
    %dma_start3A_5 = arith.constant 0 : i32
    %dma_start3A_6 = tpu.memref_slice %arg2[%dma_start3A_4, %dma_start3A_5] : memref<151936x896xf32, #tpu.memory_space<hbm>> -> memref<151936x896xf32, #tpu.memory_space<hbm>>
    tpu.enqueue_indirect_dma source(%dma_start3A_6 : memref<151936x896xf32, #tpu.memory_space<hbm>>) target(%arg6 : memref<64x896xf32, #tpu.memory_space<vmem>>) offsets(%dma_start3A : memref<64xi32, #tpu.memory_space<vmem>>) semaphore(%arg8 : memref<!tpu.dma_semaphore, #tpu.memory_space<semaphore_mem>>)
    %multiple_of3A_7 = arith.constant 64 : i32
    %multiple_of3A_8 = tpu.assume_multiple %multiple_of3A_7, 64 : i32
    %dma_start3A_9 = tpu.memref_slice %arg5[%multiple_of3A_8] : memref<1024xi32, #tpu.memory_space<vmem>> -> memref<64xi32, #tpu.memory_space<vmem>>
    %dma_start3A_10 = arith.constant 0 : i32
    %dma_start3A_11 = arith.constant 0 : i32
    %dma_start3A_12 = tpu.memref_slice %arg2[%dma_start3A_10, %dma_start3A_11] : memref<151936x896xf32, #tpu.memory_space<hbm>> -> memref<151936x896xf32, #tpu.memory_space<hbm>>
    tpu.enqueue_indirect_dma source(%dma_start3A_12 : memref<151936x896xf32, #tpu.memory_space<hbm>>) target(%arg7 : memref<64x896xf32, #tpu.memory_space<vmem>>) offsets(%dma_start3A_9 : memref<64xi32, #tpu.memory_space<vmem>>) semaphore(%arg9 : memref<!tpu.dma_semaphore, #tpu.memory_space<semaphore_mem>>)
    %scan3A = arith.constant 0 : i32
    %scan3A_13 = arith.constant 0 : i32
    %scan3A_14 = arith.constant 7 : i32
    %scan3A_15 = arith.addi %scan3A_13, %scan3A_14 : i32
    %scan3A_16 = arith.constant 1 : i32
    scf.for %scan3A_33 = %scan3A_13 to %scan3A_15 step %scan3A_16  : i32 {
      %mul3A_34 = arith.constant 2 : i32
      %mul3A_35 = arith.muli %scan3A_33, %mul3A_34 : i32
      %dma_wait3A_36 = arith.constant 0 : i32
      %dma_wait3A_37 = tpu.memref_slice %arg5[%dma_wait3A_36] : memref<1024xi32, #tpu.memory_space<vmem>> -> memref<64xi32, #tpu.memory_space<vmem>>
      %dma_wait3A_38 = arith.constant 0 : i32
      %dma_wait3A_39 = arith.constant 0 : i32
      %dma_wait3A_40 = tpu.memref_slice %arg2[%dma_wait3A_38, %dma_wait3A_39] : memref<151936x896xf32, #tpu.memory_space<hbm>> -> memref<151936x896xf32, #tpu.memory_space<hbm>>
      tpu.wait_indirect_dma semaphore(%arg8 : memref<!tpu.dma_semaphore, #tpu.memory_space<semaphore_mem>>) src(%dma_wait3A_40 : memref<151936x896xf32, #tpu.memory_space<hbm>>) dst(%arg6 : memref<64x896xf32, #tpu.memory_space<vmem>>)
      %mul3A_41 = arith.constant 64 : i32
      %mul3A_42 = arith.muli %mul3A_35, %mul3A_41 : i32
      %multiple_of3A_43 = tpu.assume_multiple %mul3A_42, 64 : i32
      %add3A_44 = arith.addi %mul3A_2, %multiple_of3A_43 : i32
      "tpu.region"() ({
        %run_scoped3A = tpu.sem_alloc : memref<!tpu.dma_semaphore, #tpu.memory_space<semaphore_mem>>
        %dma_start3A_74 = arith.constant 0 : i32
        %dma_start3A_75 = tpu.memref_slice %arg4[%add3A_44, %dma_start3A_74] : memref<32768x896xf32, #tpu.memory_space<hbm>> -> memref<64x896xf32, #tpu.memory_space<hbm>>
        %dma_start3A_76 = arith.constant 0 : i32
        %dma_start3A_77 = tpu.memref_slice %arg4[%add3A_44, %dma_start3A_76] : memref<32768x896xf32, #tpu.memory_space<hbm>> -> memref<64x896xf32, #tpu.memory_space<hbm>>
        tpu.enqueue_dma source(%arg6 : memref<64x896xf32, #tpu.memory_space<vmem>>) target(%dma_start3A_77 : memref<64x896xf32, #tpu.memory_space<hbm>>) target_semaphore(%run_scoped3A : memref<!tpu.dma_semaphore, #tpu.memory_space<semaphore_mem>>)
        %dma_wait3A_78 = arith.constant 0 : i32
        %dma_wait3A_79 = tpu.memref_slice %arg4[%add3A_44, %dma_wait3A_78] : memref<32768x896xf32, #tpu.memory_space<hbm>> -> memref<64x896xf32, #tpu.memory_space<hbm>>
        %dma_wait3A_80 = arith.constant 0 : i32
        %dma_wait3A_81 = tpu.memref_slice %arg4[%add3A_44, %dma_wait3A_80] : memref<32768x896xf32, #tpu.memory_space<hbm>> -> memref<64x896xf32, #tpu.memory_space<hbm>>
        tpu.wait_dma2 semaphore(%run_scoped3A : memref<!tpu.dma_semaphore, #tpu.memory_space<semaphore_mem>>) src(%arg6 : memref<64x896xf32, #tpu.memory_space<vmem>>) dst(%dma_wait3A_81 : memref<64x896xf32, #tpu.memory_space<hbm>>)
        tpu.yield
      }) : () -> ()
      %add3A_45 = arith.constant 2 : i32
      %add3A_46 = arith.addi %mul3A_35, %add3A_45 : i32
      %mul3A_47 = arith.constant 64 : i32
      %mul3A_48 = arith.muli %add3A_46, %mul3A_47 : i32
      %multiple_of3A_49 = tpu.assume_multiple %mul3A_48, 64 : i32
      %dma_start3A_50 = tpu.memref_slice %arg5[%multiple_of3A_49] : memref<1024xi32, #tpu.memory_space<vmem>> -> memref<64xi32, #tpu.memory_space<vmem>>
      %dma_start3A_51 = arith.constant 0 : i32
      %dma_start3A_52 = arith.constant 0 : i32
      %dma_start3A_53 = tpu.memref_slice %arg2[%dma_start3A_51, %dma_start3A_52] : memref<151936x896xf32, #tpu.memory_space<hbm>> -> memref<151936x896xf32, #tpu.memory_space<hbm>>
      tpu.enqueue_indirect_dma source(%dma_start3A_53 : memref<151936x896xf32, #tpu.memory_space<hbm>>) target(%arg6 : memref<64x896xf32, #tpu.memory_space<vmem>>) offsets(%dma_start3A_50 : memref<64xi32, #tpu.memory_space<vmem>>) semaphore(%arg8 : memref<!tpu.dma_semaphore, #tpu.memory_space<semaphore_mem>>)
      %dma_wait3A_54 = arith.constant 0 : i32
      %dma_wait3A_55 = tpu.memref_slice %arg5[%dma_wait3A_54] : memref<1024xi32, #tpu.memory_space<vmem>> -> memref<64xi32, #tpu.memory_space<vmem>>
      %dma_wait3A_56 = arith.constant 0 : i32
      %dma_wait3A_57 = arith.constant 0 : i32
      %dma_wait3A_58 = tpu.memref_slice %arg2[%dma_wait3A_56, %dma_wait3A_57] : memref<151936x896xf32, #tpu.memory_space<hbm>> -> memref<151936x896xf32, #tpu.memory_space<hbm>>
      tpu.wait_indirect_dma semaphore(%arg9 : memref<!tpu.dma_semaphore, #tpu.memory_space<semaphore_mem>>) src(%dma_wait3A_58 : memref<151936x896xf32, #tpu.memory_space<hbm>>) dst(%arg7 : memref<64x896xf32, #tpu.memory_space<vmem>>)
      %add3A_59 = arith.constant 1 : i32
      %add3A_60 = arith.addi %mul3A_35, %add3A_59 : i32
      %mul3A_61 = arith.constant 64 : i32
      %mul3A_62 = arith.muli %add3A_60, %mul3A_61 : i32
      %multiple_of3A_63 = tpu.assume_multiple %mul3A_62, 64 : i32
      %add3A_64 = arith.addi %mul3A_2, %multiple_of3A_63 : i32
      "tpu.region"() ({
        %run_scoped3A = tpu.sem_alloc : memref<!tpu.dma_semaphore, #tpu.memory_space<semaphore_mem>>
        %dma_start3A_74 = arith.constant 0 : i32
        %dma_start3A_75 = tpu.memref_slice %arg4[%add3A_64, %dma_start3A_74] : memref<32768x896xf32, #tpu.memory_space<hbm>> -> memref<64x896xf32, #tpu.memory_space<hbm>>
        %dma_start3A_76 = arith.constant 0 : i32
        %dma_start3A_77 = tpu.memref_slice %arg4[%add3A_64, %dma_start3A_76] : memref<32768x896xf32, #tpu.memory_space<hbm>> -> memref<64x896xf32, #tpu.memory_space<hbm>>
        tpu.enqueue_dma source(%arg7 : memref<64x896xf32, #tpu.memory_space<vmem>>) target(%dma_start3A_77 : memref<64x896xf32, #tpu.memory_space<hbm>>) target_semaphore(%run_scoped3A : memref<!tpu.dma_semaphore, #tpu.memory_space<semaphore_mem>>)
        %dma_wait3A_78 = arith.constant 0 : i32
        %dma_wait3A_79 = tpu.memref_slice %arg4[%add3A_64, %dma_wait3A_78] : memref<32768x896xf32, #tpu.memory_space<hbm>> -> memref<64x896xf32, #tpu.memory_space<hbm>>
        %dma_wait3A_80 = arith.constant 0 : i32
        %dma_wait3A_81 = tpu.memref_slice %arg4[%add3A_64, %dma_wait3A_80] : memref<32768x896xf32, #tpu.memory_space<hbm>> -> memref<64x896xf32, #tpu.memory_space<hbm>>
        tpu.wait_dma2 semaphore(%run_scoped3A : memref<!tpu.dma_semaphore, #tpu.memory_space<semaphore_mem>>) src(%arg7 : memref<64x896xf32, #tpu.memory_space<vmem>>) dst(%dma_wait3A_81 : memref<64x896xf32, #tpu.memory_space<hbm>>)
        tpu.yield
      }) : () -> ()
      %add3A_65 = arith.constant 3 : i32
      %add3A_66 = arith.addi %mul3A_35, %add3A_65 : i32
      %mul3A_67 = arith.constant 64 : i32
      %mul3A_68 = arith.muli %add3A_66, %mul3A_67 : i32
      %multiple_of3A_69 = tpu.assume_multiple %mul3A_68, 64 : i32
      %dma_start3A_70 = tpu.memref_slice %arg5[%multiple_of3A_69] : memref<1024xi32, #tpu.memory_space<vmem>> -> memref<64xi32, #tpu.memory_space<vmem>>
      %dma_start3A_71 = arith.constant 0 : i32
      %dma_start3A_72 = arith.constant 0 : i32
      %dma_start3A_73 = tpu.memref_slice %arg2[%dma_start3A_71, %dma_start3A_72] : memref<151936x896xf32, #tpu.memory_space<hbm>> -> memref<151936x896xf32, #tpu.memory_space<hbm>>
      tpu.enqueue_indirect_dma source(%dma_start3A_73 : memref<151936x896xf32, #tpu.memory_space<hbm>>) target(%arg7 : memref<64x896xf32, #tpu.memory_space<vmem>>) offsets(%dma_start3A_70 : memref<64xi32, #tpu.memory_space<vmem>>) semaphore(%arg9 : memref<!tpu.dma_semaphore, #tpu.memory_space<semaphore_mem>>)
    }
    %scan3A_17 = arith.constant 7 : i32
    %dma_wait3A = arith.constant 0 : i32
    %dma_wait3A_18 = tpu.memref_slice %arg5[%dma_wait3A] : memref<1024xi32, #tpu.memory_space<vmem>> -> memref<64xi32, #tpu.memory_space<vmem>>
    %dma_wait3A_19 = arith.constant 0 : i32
    %dma_wait3A_20 = arith.constant 0 : i32
    %dma_wait3A_21 = tpu.memref_slice %arg2[%dma_wait3A_19, %dma_wait3A_20] : memref<151936x896xf32, #tpu.memory_space<hbm>> -> memref<151936x896xf32, #tpu.memory_space<hbm>>
    tpu.wait_indirect_dma semaphore(%arg8 : memref<!tpu.dma_semaphore, #tpu.memory_space<semaphore_mem>>) src(%dma_wait3A_21 : memref<151936x896xf32, #tpu.memory_space<hbm>>) dst(%arg6 : memref<64x896xf32, #tpu.memory_space<vmem>>)
    %multiple_of3A_22 = arith.constant 896 : i32
    %multiple_of3A_23 = tpu.assume_multiple %multiple_of3A_22, 64 : i32
    %add3A_24 = arith.addi %mul3A_2, %multiple_of3A_23 : i32
    "tpu.region"() ({
      %run_scoped3A = tpu.sem_alloc : memref<!tpu.dma_semaphore, #tpu.memory_space<semaphore_mem>>
      %dma_start3A_33 = arith.constant 0 : i32
      %dma_start3A_34 = tpu.memref_slice %arg4[%add3A_24, %dma_start3A_33] : memref<32768x896xf32, #tpu.memory_space<hbm>> -> memref<64x896xf32, #tpu.memory_space<hbm>>
      %dma_start3A_35 = arith.constant 0 : i32
      %dma_start3A_36 = tpu.memref_slice %arg4[%add3A_24, %dma_start3A_35] : memref<32768x896xf32, #tpu.memory_space<hbm>> -> memref<64x896xf32, #tpu.memory_space<hbm>>
      tpu.enqueue_dma source(%arg6 : memref<64x896xf32, #tpu.memory_space<vmem>>) target(%dma_start3A_36 : memref<64x896xf32, #tpu.memory_space<hbm>>) target_semaphore(%run_scoped3A : memref<!tpu.dma_semaphore, #tpu.memory_space<semaphore_mem>>)
      %dma_wait3A_37 = arith.constant 0 : i32
      %dma_wait3A_38 = tpu.memref_slice %arg4[%add3A_24, %dma_wait3A_37] : memref<32768x896xf32, #tpu.memory_space<hbm>> -> memref<64x896xf32, #tpu.memory_space<hbm>>
      %dma_wait3A_39 = arith.constant 0 : i32
      %dma_wait3A_40 = tpu.memref_slice %arg4[%add3A_24, %dma_wait3A_39] : memref<32768x896xf32, #tpu.memory_space<hbm>> -> memref<64x896xf32, #tpu.memory_space<hbm>>
      tpu.wait_dma2 semaphore(%run_scoped3A : memref<!tpu.dma_semaphore, #tpu.memory_space<semaphore_mem>>) src(%arg6 : memref<64x896xf32, #tpu.memory_space<vmem>>) dst(%dma_wait3A_40 : memref<64x896xf32, #tpu.memory_space<hbm>>)
      tpu.yield
    }) : () -> ()
    %dma_wait3A_25 = arith.constant 0 : i32
    %dma_wait3A_26 = tpu.memref_slice %arg5[%dma_wait3A_25] : memref<1024xi32, #tpu.memory_space<vmem>> -> memref<64xi32, #tpu.memory_space<vmem>>
    %dma_wait3A_27 = arith.constant 0 : i32
    %dma_wait3A_28 = arith.constant 0 : i32
    %dma_wait3A_29 = tpu.memref_slice %arg2[%dma_wait3A_27, %dma_wait3A_28] : memref<151936x896xf32, #tpu.memory_space<hbm>> -> memref<151936x896xf32, #tpu.memory_space<hbm>>
    tpu.wait_indirect_dma semaphore(%arg9 : memref<!tpu.dma_semaphore, #tpu.memory_space<semaphore_mem>>) src(%dma_wait3A_29 : memref<151936x896xf32, #tpu.memory_space<hbm>>) dst(%arg7 : memref<64x896xf32, #tpu.memory_space<vmem>>)
    %multiple_of3A_30 = arith.constant 960 : i32
    %multiple_of3A_31 = tpu.assume_multiple %multiple_of3A_30, 64 : i32
    %add3A_32 = arith.addi %mul3A_2, %multiple_of3A_31 : i32
    "tpu.region"() ({
      %run_scoped3A = tpu.sem_alloc : memref<!tpu.dma_semaphore, #tpu.memory_space<semaphore_mem>>
      %dma_start3A_33 = arith.constant 0 : i32
      %dma_start3A_34 = tpu.memref_slice %arg4[%add3A_32, %dma_start3A_33] : memref<32768x896xf32, #tpu.memory_space<hbm>> -> memref<64x896xf32, #tpu.memory_space<hbm>>
      %dma_start3A_35 = arith.constant 0 : i32
      %dma_start3A_36 = tpu.memref_slice %arg4[%add3A_32, %dma_start3A_35] : memref<32768x896xf32, #tpu.memory_space<hbm>> -> memref<64x896xf32, #tpu.memory_space<hbm>>
      tpu.enqueue_dma source(%arg7 : memref<64x896xf32, #tpu.memory_space<vmem>>) target(%dma_start3A_36 : memref<64x896xf32, #tpu.memory_space<hbm>>) target_semaphore(%run_scoped3A : memref<!tpu.dma_semaphore, #tpu.memory_space<semaphore_mem>>)
      %dma_wait3A_37 = arith.constant 0 : i32
      %dma_wait3A_38 = tpu.memref_slice %arg4[%add3A_32, %dma_wait3A_37] : memref<32768x896xf32, #tpu.memory_space<hbm>> -> memref<64x896xf32, #tpu.memory_space<hbm>>
      %dma_wait3A_39 = arith.constant 0 : i32
      %dma_wait3A_40 = tpu.memref_slice %arg4[%add3A_32, %dma_wait3A_39] : memref<32768x896xf32, #tpu.memory_space<hbm>> -> memref<64x896xf32, #tpu.memory_space<hbm>>
      tpu.wait_dma2 semaphore(%run_scoped3A : memref<!tpu.dma_semaphore, #tpu.memory_space<semaphore_mem>>) src(%arg7 : memref<64x896xf32, #tpu.memory_space<vmem>>) dst(%dma_wait3A_40 : memref<64x896xf32, #tpu.memory_space<hbm>>)
      tpu.yield
    }) : () -> ()
    return
  }
}

module attributes {stable_mosaic.version = 14 : i64} {
  func.func @_rope_body(%arg0: memref<128x1x64xf32, #tpu.memory_space<vmem>>, %arg1: memref<128x1x64xf32, #tpu.memory_space<vmem>>, %arg2: memref<1x64x64xf32, #tpu.memory_space<vmem>>, %arg3: memref<1x64x64xf32, #tpu.memory_space<vmem>>, %arg4: memref<128x64x64xf32, #tpu.memory_space<vmem>>, %arg5: memref<128x64x64xf32, #tpu.memory_space<vmem>>) attributes {dimension_semantics = [], scalar_prefetch = 0 : i64, scratch_operands = 0 : i64, tpu.core_type = #tpu.core_type<tc>} {
    %get3A = arith.constant 0 : index
    %get3A_0 = arith.constant 0 : index
    %get3A_1 = arith.constant 0 : index
    %get3A_2 = vector.load %arg0[%get3A, %get3A_0, %get3A_1] : memref<128x1x64xf32, #tpu.memory_space<vmem>>, vector<128x1x64xf32>
    %get3A_3 = arith.constant 0 : index
    %get3A_4 = arith.constant 0 : index
    %get3A_5 = arith.constant 0 : index
    %get3A_6 = vector.load %arg1[%get3A_3, %get3A_4, %get3A_5] : memref<128x1x64xf32, #tpu.memory_space<vmem>>, vector<128x1x64xf32>
    %get3A_7 = arith.constant 0 : index
    %get3A_8 = arith.constant 0 : index
    %get3A_9 = arith.constant 0 : index
    %get3A_10 = vector.load %arg2[%get3A_7, %get3A_8, %get3A_9] : memref<1x64x64xf32, #tpu.memory_space<vmem>>, vector<1x64x64xf32>
    %get3A_11 = arith.constant 0 : index
    %get3A_12 = arith.constant 0 : index
    %get3A_13 = arith.constant 0 : index
    %get3A_14 = vector.load %arg3[%get3A_11, %get3A_12, %get3A_13] : memref<1x64x64xf32, #tpu.memory_space<vmem>>, vector<1x64x64xf32>
    %mul3A = vector.broadcast %get3A_2 : vector<128x1x64xf32> to vector<128x64x64xf32>
    %mul3A_15 = vector.broadcast %get3A_10 : vector<1x64x64xf32> to vector<128x64x64xf32>
    %mul3A_16 = arith.mulf %mul3A, %mul3A_15 : vector<128x64x64xf32>
    %mul3A_17 = vector.broadcast %get3A_6 : vector<128x1x64xf32> to vector<128x64x64xf32>
    %mul3A_18 = vector.broadcast %get3A_14 : vector<1x64x64xf32> to vector<128x64x64xf32>
    %mul3A_19 = arith.mulf %mul3A_17, %mul3A_18 : vector<128x64x64xf32>
    %sub3A = arith.subf %mul3A_16, %mul3A_19 : vector<128x64x64xf32>
    %swap3A = arith.constant 0 : index
    %swap3A_20 = arith.constant 0 : index
    %swap3A_21 = arith.constant 0 : index
    %swap3A_22 = vector.load %arg4[%swap3A, %swap3A_20, %swap3A_21] : memref<128x64x64xf32, #tpu.memory_space<vmem>>, vector<128x64x64xf32>
    tpu.vector_store %arg4[%swap3A, %swap3A_20, %swap3A_21], %sub3A {strides = array<i32>} : memref<128x64x64xf32, #tpu.memory_space<vmem>>, vector<128x64x64xf32>,
    %mul3A_23 = vector.broadcast %get3A_6 : vector<128x1x64xf32> to vector<128x64x64xf32>
    %mul3A_24 = vector.broadcast %get3A_10 : vector<1x64x64xf32> to vector<128x64x64xf32>
    %mul3A_25 = arith.mulf %mul3A_23, %mul3A_24 : vector<128x64x64xf32>
    %mul3A_26 = vector.broadcast %get3A_2 : vector<128x1x64xf32> to vector<128x64x64xf32>
    %mul3A_27 = vector.broadcast %get3A_14 : vector<1x64x64xf32> to vector<128x64x64xf32>
    %mul3A_28 = arith.mulf %mul3A_26, %mul3A_27 : vector<128x64x64xf32>
    %add3A = arith.addf %mul3A_25, %mul3A_28 : vector<128x64x64xf32>
    %swap3A_29 = arith.constant 0 : index
    %swap3A_30 = arith.constant 0 : index
    %swap3A_31 = arith.constant 0 : index
    %swap3A_32 = vector.load %arg5[%swap3A_29, %swap3A_30, %swap3A_31] : memref<128x64x64xf32, #tpu.memory_space<vmem>>, vector<128x64x64xf32>
    tpu.vector_store %arg5[%swap3A_29, %swap3A_30, %swap3A_31], %add3A {strides = array<i32>} : memref<128x64x64xf32, #tpu.memory_space<vmem>>, vector<128x64x64xf32>,
    return
  }
}

</mosaic_0001>

<sc_bundles>
// kernel: kernel.4.cloned.1.call-start
scs
__scs_entry_jumppad:
0x0: {  	(pc) =	sbr.rel $0x88, $3  }
0x1: {  	(tag) =	ssettag $0x0;
	lr =	simm.s32 $0x1  }
0x2: {  	[smem:$0x3F9F] =	sst lr;
	_ =	strace $0xD0000000  }
0x3: {  	_ = 	snop  }
0x4: {  	_ = 	snop  }
0x5: {  	_ = 	snop  }
0x6: {  	_ = 	snop  }
0x7: {  	_ = 	snop  }
__scs_overlays_trampoline_lowered:
0x8: {  	[smem:$0x3FAE] =	sst s0  }
0x9: {  	[smem:$0x3FAF] =	sst s1  }
0xa: {  	[smem:$0x3FB0] =	sst s2  }
0xb: {  	[smem:$0x3FB1] =	sst s3  }
0xc: {  	[smem:$0x3FB2] =	sst s4  }
0xd: {  	[smem:$0x3FB3] =	sst s5  }
0xe: {  	[smem:$0x3FB4] =	sst s6  }
0xf: {  	[smem:$0x3FB5] =	sst s7  }
0x10: {  	[smem:$0x3FB6] =	sst s8  }
0x11: {  	[smem:$0x3FB7] =	sst s9;
	s0 =	simm.s32 @!p0 $0x0  }
0x12: {  	s1 =	sld [smem:$0x3F9D];
	s0 =	simm.s32 @p0 $0x1  }
0x13: {  	[smem:$0x3FB8] =	sst s0;
	s0 =	simm.s32 @!p1 $0x0  }
0x14: {  	s2 =	sld [smem:$0x3F9C];
	s0 =	simm.s32 @p1 $0x1  }
0x15: {  	[smem:$0x3FB9] =	sst s0;
	s0 =	simm.s32 @!p2 $0x0  }
0x16: {  	s3 =	sld [smem:$0x3FDB];
	s0 =	simm.s32 @p2 $0x1  }
0x17: {  	s4 =	simm.s32 $0x1BF5;
	[smem:$0x3FBB] =	sst s0  }
0x18: {  	s0 =	sld [smem:$0x3F9E];
	_ =	swait.ge [sflag:s4], $0x0  }
0x19: {  	s7 =	sld [smem:$0x3F9F]  }
0x1a: {  	s8 =	sadd.s32 $0xFFFFE003, lr  }
0x1b: {  	s9 =	sadd.s32 $0xFFFFFEF7, lr;
	s5 =	simm.s32 $0xFFFFFFFF;
	p2 =	slt.u32 s8, $0xFFFFF086  }
0x1c: {  	p1 =	slt.u32 s9, $0xF7A;
	s5 =	simm.s32 @!p2 $0x0  }
0x1d: {  	s5 =	simm.s32 @p1 $0x1;
	p0 =	seq.s32 s7, s2  }
0x1e: {  	s7 =	smul.u32 @!p0 $0xF7A, s2;
	p2 =	seq.s32 @!p0 s5, $0x0  }
0x1f: {  	s9 =	smul.u32 $0xF7A, s1;
	s8 =	simm.s32 @!p0 $0x1BF5;
	p2 =	por !p2, p0  }
0x20: {  	[sflag:s8] =	ssyncset.s32 @!p0 $0xFFFFF086;
	s6 =	sadd.s32 @!p0 s3, s7;
	s7 =	simm.s32 @!p0 $0x108  }
0x21: {  	s3 =	sadd.s32 s3, s9;
	s6 =	sadd.s32 @!p0 $0x88, s6;
	s7 =	simm.s32 @p2 $0x1082  }
0x22: {  	[simem:s7], [sflag:s8] =	dma.local @!p0 [hbm:s6], $0xF7A  }
0x23: {  	s9 =	sor.u32 $0xD0000000, s2;
	s6 =	simm.s32 $0x108;
	_ =	swait.ge @!p0 [sflag:s8], $0x0  }
0x24: {  	s3 =	sadd.s32 $0x88, s3;
	s6 =	simm.s32 @!p1 $0x1082;
	[sflag:s4] =	ssyncset.s32 $0xFFFFF086  }
0x25: {  	[simem:s6], [sflag:s4] =	dma.local [hbm:s3], $0xF7A  }
0x26: {  	[smem:$0x3F9F] =	sst s1;
	(tag) =	ssettag s2;
	_ =	strace s9  }
0x27: {  	s1 =	sld [smem:$0x3FAF]  }
0x28: {  	s2 =	sld [smem:$0x3FB0]  }
0x29: {  	s4 =	sld [smem:$0x3FB2]  }
0x2a: {  	p0 =	seq.s32 s5, $0x0;
	s5 =	sld [smem:$0x3FB3]  }
0x2b: {  	s6 =	sld [smem:$0x3FB4]  }
0x2c: {  	s7 =	sld [smem:$0x3FB5]  }
0x2d: {  	s3 =	simm.s32 $0x108;
	s8 =	sld [smem:$0x3FB6]  }
0x2e: {  	s3 =	simm.s32 @!p0 $0x1082;
	s9 =	sld [smem:$0x3FB7]  }
0x2f: {  	lr =	sadd.s32 s0, s3;
	s0 =	sld [smem:$0x3FAE]  }
0x30: {  	s3 =	sld [smem:$0x3FB1]  }
0x31: {  	[smem:$0x3FBA] =	sst s10  }
0x32: {  	s10 =	sld [smem:$0x3FB8];
	_ =	sdelay $0x3  }
0x33: {  	p0 =	seq.s32 s10, $0x1;
	s10 =	sld [smem:$0x3FBA];
	_ =	sdelay $0x3  }
0x34: {  	[smem:$0x3FBA] =	sst s10  }
0x35: {  	s10 =	sld [smem:$0x3FB9];
	_ =	sdelay $0x3  }
0x36: {  	p1 =	seq.s32 s10, $0x1;
	s10 =	sld [smem:$0x3FBA];
	_ =	sdelay $0x3  }
0x37: {  	[smem:$0x3FBA] =	sst s10  }
0x38: {  	s10 =	sld [smem:$0x3FBB]  }
0x39: {  	_ = 	snop;
	(pc) =	sbr.ind lr, $3  }
0x3a: {  	_ = 	snop  }
0x3b: {  	_ = 	snop  }
0x3c: {  	p2 =	seq.s32 s10, $0x1;
	s10 =	sld [smem:$0x3FBA]  }
0x3d: {  	_ =	shalt  }
0x3e: {  	_ =	shalt  }
0x3f: {  	_ =	shalt  }
0x40: {  	_ =	shalt  }
0x41: {  	_ =	shalt  }
0x42: {  	_ =	shalt  }
0x43: {  	_ =	shalt  }
0x44: {  	_ =	shalt  }
0x45: {  	_ =	shalt  }
0x46: {  	_ =	shalt  }
0x47: {  	_ =	shalt  }
0x48: {  	_ =	shalt  }
0x49: {  	_ =	shalt  }
0x4a: {  	_ =	shalt  }
0x4b: {  	_ =	shalt  }
0x4c: {  	_ =	shalt  }
0x4d: {  	_ =	shalt  }
0x4e: {  	_ =	shalt  }
0x4f: {  	_ =	shalt  }
0x50: {  	_ =	shalt  }
0x51: {  	_ =	shalt  }
0x52: {  	_ =	shalt  }
0x53: {  	_ =	shalt  }
0x54: {  	_ =	shalt  }
0x55: {  	_ =	shalt  }
0x56: {  	_ =	shalt  }
0x57: {  	_ =	shalt  }
0x58: {  	_ =	shalt  }
0x59: {  	_ =	shalt  }
0x5a: {  	_ =	shalt  }
0x5b: {  	_ =	shalt  }
0x5c: {  	_ =	shalt  }
0x5d: {  	_ =	shalt  }
0x5e: {  	_ =	shalt  }
0x5f: {  	_ =	shalt  }
0x60: {  	_ =	shalt  }
0x61: {  	_ =	shalt  }
0x62: {  	_ =	shalt  }
0x63: {  	_ =	shalt  }
0x64: {  	_ =	shalt  }
0x65: {  	_ =	shalt  }
0x66: {  	_ =	shalt  }
0x67: {  	_ =	shalt  }
0x68: {  	_ =	shalt  }
0x69: {  	_ =	shalt  }
0x6a: {  	_ =	shalt  }
0x6b: {  	_ =	shalt  }
0x6c: {  	_ =	shalt  }
0x6d: {  	_ =	shalt  }
0x6e: {  	_ =	shalt  }
0x6f: {  	_ =	shalt  }
0x70: {  	_ =	shalt  }
0x71: {  	_ =	shalt  }
0x72: {  	_ =	shalt  }
0x73: {  	_ =	shalt  }
0x74: {  	_ =	shalt  }
0x75: {  	_ =	shalt  }
0x76: {  	_ =	shalt  }
0x77: {  	_ =	shalt  }
0x78: {  	_ =	shalt  }
0x79: {  	_ =	shalt  }
0x7a: {  	_ =	shalt  }
0x7b: {  	_ =	shalt  }
0x7c: {  	_ =	shalt  }
0x7d: {  	_ =	shalt  }
0x7e: {  	_ =	shalt  }
0x7f: {  	_ =	shalt  }
0x80: {  	_ =	shalt  }
0x81: {  	_ =	shalt  }
0x82: {  	_ =	shalt  }
0x83: {  	_ =	shalt  }
0x84: {  	_ =	shalt  }
0x85: {  	_ =	shalt  }
0x86: {  	_ =	shalt  }
0x87: {  	_ =	shalt  }
.Lfunc_end0:
.L_simem_size_0:
called_computation_lowered:
.L_overlay_start_0:
0x88: {  	s2 =	sld [smem:$0x3FD9]  }
0x89: {  	s3 =	sld [smem:$0x3FFE];
	_ =	sdelay $0x1  }
0x8a: {  	s1 =	srdreg.scid  }
0x8b: {  	s0 =	sand.u32 $0x1, s1  }
0x8c: {  	s14 =	sshll.u32 s0, $0xA;
	s2 =	sadd.s32 s3, s2  }
0x8d: {  	s2 =	sadd.s32 s2, s14  }
0x8e: {  	[smem:$0x3FC6] =	sst s2  }
0x8f: {  	_ = 	snop  }
0x90: {  	s2 =	sld [smem:$0x3FD0];
	_ =	sdelay $0x2  }
0x91: {  	s4 =	simm.s32 $0xA;
	s5 =	simm.s32 $0x10;
	s15 =	sld [smem:$0x3FC8]  }
0x92: {  	[smem:s5], [sflag:s4] =	dma.local [hbm:s2], $0x1  }
0x93: {  	_ =	swait.eq [sflag:s4], $0x1  }
0x94: {  	[sflag:s4] =	ssyncset.done $0x0  }
0x95: {  	[sflag:s4] =	ssyncadd.s32 $0xFFFFFFFF  }
0x96: {  	s16 =	sld [smem:$0x10];
	(tm) =	ssettm $0x1  }
0x97: {  	s17 =	sld [smem:$0x3FFB];
	_ =	sdelay $0x3  }
0x98: {  	_ =	strace s17  }
0x99: {  	s4 =	sld [smem:$0x3FFC];
	_ =	sdelay $0x3  }
0x9a: {  	_ =	strace s4  }
0x9b: {  	s4 =	sld [smem:$0x3FFD];
	_ =	sdelay $0x3  }
0x9c: {  	_ =	strace s4  }
0x9d: {  	_ =	strace $0x8FFFFFFF  }
0x9e: {  	s18 =	sld [smem:$0x3FDB];
	_ =	sdelay $0x1  }
0x9f: {  	s19 =	simm.s32 $_scs_section_size  }
0xa0: {  	s6 =	simm.s32 $_size__tile_overlayer_lowered;
	s7 =	simm.s32 $_tile_overlayer_lowered  }
0xa1: {  	s22 =	simm.s32 $0x1BFF;
	s21 =	sshll.u32 s7, $0x1;
	s4 =	sadd.s32 s19, s18  }
0xa2: {  	s8 =	simm.s32 $0x0;
	s20 =	sshll.u32 s6, $0x1;
	s6 =	sadd.s32 s21, s4  }
0xa3: {  	[timem:s8], [sflag:s22] =	dma.local [hbm:s6], s20  }
0xa4: {  	_ =	swait.ge [sflag:s22], s20  }
0xa5: {  	s5 =	ssub.s32 $0x0, s20;
	[sflag:s22] =	ssyncset.done $0x0  }
0xa6: {  	[sflag:s22] =	ssyncadd.s32 s5;
	_ =	sdelay $0x1  }
0xa7: {  	s23 =	simm.s32 $0x1B8B  }
0xa8: {  	_ =	swait.ge [sflag:s23], $0x1  }
0xa9: {  	[sflag:s23] =	ssyncset.done $0x0  }
0xaa: {  	s25 =	simm.s32 $0x1B8E;
	s24 =	sld [smem:$0x3FFE];
	[sflag:s23] =	ssyncadd.s32 $0xFFFFFFFF  }
0xab: {  	s26 =	simm.s32 $execute0_lowered;
	[smem:$0x3FD2] =	sst s25  }
0xac: {  	s6 =	sshll.u32 s26, $0x1;
	_ =	strace $0x80000046;
	[dreg:$0x1] =	wrdreg $0xFFFFFFFF  }
0xad: {  	s28 =	simm.s32 $_size_execute0_lowered;
	s4 =	sadd.s32 s4, s6;
	[dreg:$0x0] =	wrdreg $0x0  }
0xae: {  	s6 =	sshll.u32 s28, $0x1;
	[dreg:$0x2] =	wrdreg s4  }
0xaf: {  	[dreg:$0x3] =	wrdreg s6  }
0xb0: {  	[dreg:$0x4] =	wrdreg $0xC0  }
0xb1: {  	_ =	task [dreg:s8], $0x5FFFF  }
0xb2: {  	[dreg:$0x1] =	wrdreg $0xFFFFFFFF  }
0xb3: {  	[dreg:$0x0] =	wrdreg $0x60  }
0xb4: {  	[dreg:$0x2] =	wrdreg s15  }
0xb5: {  	[dreg:$0x3] =	wrdreg s24  }
0xb6: {  	[dreg:$0x4] =	wrdreg s16  }
0xb7: {  	[dreg:$0x5] =	wrdreg $0x9  }
0xb8: {  	_ =	task.clear_ibuf [dreg:s8], $0x6FFFF;
	_ =	strace $0x90000046  }
0xb9: {  	s29 =	simm.s32 $0x9;
	_ =	strace $0x80000048  }
0xba: {  	_ =	swait.ge [sflag:s29], $0x1  }
0xbb: {  	[sflag:s29] =	ssyncadd.s32 $0xFFFFFFFF  }
0xbc: {  	_ =	strace $0x90000048  }
0xbd: {  	_ =	sfence  }
0xbe: {  	s30 =	sld [smem:$0x0];
	_ =	sdelay $0x2  }
0xbf: {  	s31 =	sshll.u32 s1, $0xD;
	s1 =	sshrl.u32 s1, $0x2  }
0xc0: {  	s3 =	sand.u32 $0x4000, s31;
	s1 =	sadd.s32 s1, s30  }
0xc1: {  	s0 =	sor.u32 s3, s0;
	s1 =	sshll.u32 s1, $0x11  }
0xc2: {  	s0 =	sor.u32 s1, s0  }
0xc3: {  	s0 =	sadd.s32 $0x8F2B, s0  }
0xc4: {  	[sflag:s0] =	ssyncadd.remote.s32 $0x1  }
0xc5: {  	_ =	sfence.sel $0xFFFF  }
0xc6: {  	[dreg:$0x0] =	wrdreg $0xFFFFFFFF;
	(pc) =	sbr.abs _section_cstart, $3  }
0xc7: {  	[dreg:$0x1] =	wrdreg $0xFFFFFFFF  }
0xc8: {  	_ =	task.clear_ibuf [dreg:s8], $0x2FFFF;
	_ =	strace $0x9FFFFFFF  }
0xc9: {  	(tm) =	ssettm $0x7FFFFFFF  }
tec
execute0_lowered:
.L_overlay_start_1:
0x0: {  	(tag) =	ssettag $0x1  }
0x1: {  	s0 =	srdreg.scid;
	s1 =	rddreg [dreg:$0x0]  }
0x2: {  	s3 =	stileid.u32;
	s2 =	rddreg [dreg:$0x1]  }
0x3: {  	s8 =	rddreg [dreg:$0x2];
	s11 =	simm.s32 $0x3;
	s20 =	simm.s32 $0x400  }
0x4: {  	s12 =	simm.s32 $0x1400;
	s10 =	simm.s32 $0x2800;
	s13 =	simm.s32 $0x3000  }
0x5: {  	s14 =	simm.s32 $0x3800;
	s15 =	simm.s32 $0x3C00;
	s16 =	simm.s32 $0x4400  }
0x6: {  	s17 =	simm.s32 $0x4C00;
	s18 =	simm.s32 $0x5400;
	s19 =	simm.s32 $0x5800  }
0x7: {  	s21 =	simm.s32 $0x6000;
	s22 =	simm.s32 $0x6800;
	s23 =	simm.s32 $0x7000  }
0x8: {  	s24 =	simm.s32 $0x7400;
	s28 =	simm.s32 $0x9000;
	s29 =	simm.s32 $0x9800  }
0x9: {  	s30 =	simm.s32 $0x1;
	s31 =	simm.s32 $0x2;
	s0 =	sand.u32 $0x1, s0  }
0xa: {  	s3 =	sshll.u32 s3, $0xB;
	s7 =	sadd.s32 $0x300, s1;
	s4 =	sshll.u32 s0, $0xA  }
0xb: {  	s0 =	ssub.s32 $0x2, s0;
	s4 =	sor.u32 s4, s3;
	s3 =	simm.s32 $0x0  }
0xc: {  	s6 =	sshrl.u32 s0, $0x1;
	s4 =	sshrl.u32 s4, $0x3;
	[smem:$0x7FF] =	sst s3  }
0xd: {  	s0 =	ssub.s32 s0, s6;
	s6 =	sadd.s32 $0x200, s1;
	s5 =	smul.u32 $0x1C00, s4  }
0xe: {  	_ =	strace $0x80000047;
	s2 =	sadd.s32 s4, s2;
	s0 =	smax.u32 s0, $0x1  }
0xf: {  	s4 =	smul.u32 $0x380, s4;
	s2 =	sadd.s32 $0xE00, s2;
	[dreg:$0x8] =	wrdreg s0  }
0x10: {  	s0 =	simm.s32 $0x0;
	[dreg:$0x5] =	wrdreg s2;
	s25 =	sshrl.u32 s5, $0x3  }
0x11: {  	s5 =	sadd.s32 $0x100, s1;
	s26 =	sadd.s32 s4, s8;
	[dreg:$0x9] =	wrdreg s0  }
0x12: {  	s4 =	simm.s32 $0xE400;
	s2 =	sadd.s32 s8, s25;
	[dreg:$0x4] =	wrdreg s26  }
0x13: {  	v2 =	vlaneseq.u32;
	s8 =	simm.s32 $0x1C00;
	s25 =	simm.s32 $0x7C00;
	s9 =	sadd.s32 $0x18800, s2  }
0x14: {  	vm0 =	vmmov $0xffff;
	vm1 =	vmmov $0xff;
	v1 =	vshrl.u32 v2, $0x3;
	s26 =	simm.s32 $0x8400;
	s2 =	sadd.s32 $0x1A400, s2;
	[dreg:$0x6] =	wrdreg s9  }
0x15: {  	v0 =	vand.u32 $0x7, v2;
	v2 =	vor.u32 $0x8, v2;
	v1 =	vmul.u32 $0x8, v1;
	[dreg:$0x7] =	wrdreg s2;
	s2 =	simm.s32 $0xC00;
	s9 =	simm.s32 $0x2000  }
.LBB2_1:
0x16: {  	s0 =	rddreg [dreg:$0x5]  }
0x17: {  	[tilespmem:s3], [sflag:$0x3] =	stream.linear.gather [hbm4b:s0+s3], $0x400, $0x38;
	[tilespmem:$0x1C400] =	vst v63  }
0x18: {  	_ =	swait.ge [sflag:s11], $0x400  }
0x19: {  	[sflag:s11] =	ssyncset.done $0x0  }
0x1a: {  	[sflag:s11] =	ssyncadd.s32 $0xFFFFFC00  }
0x1b: {  	v3 =	vld [tilespmem:$0x0];
	_ =	sdelay $0x4  }
0x1c: {  	v4 =	vshrl.u32 v3, $0x3  }
0x1d: {  	v4 =	vmul.u32 $0x38, v4  }
0x1e: {  	v3 =	vand.u32 $0x7, v3  }
0x1f: {  	v3 =	vor.u32 v3, v4  }
0x20: {  	v4 =	vperm.xlane v3, v0;
	_ =	sdelay $0x1  }
0x21: {  	v4 =	vadd.s32 v1, v4;
	_ =	sdelay $0x4  }
0x22: {  	[tilespmem:s20], [sflag:$0x1] =	stream.indirect_vreg.gather [hbm4b:s1+s3], $0x80, v4, vm0, $0xb8;
	[tilespmem:$0x1C400] =	vst v63  }
0x23: {  	v3 =	vperm.xlane v3, v2  }
0x24: {  	[tilespmem:s2], [sflag:$0x1] =	stream.indirect_vreg.gather [hbm4b:s5+s3], $0x80, v4, vm0, $0xb8;
	[tilespmem:$0x1C400] =	vst v63  }
0x25: {  	v3 =	vadd.s32 v1, v3  }
0x26: {  	[tilespmem:s12], [sflag:$0x1] =	stream.indirect_vreg.gather [hbm4b:s6+s3], $0x80, v4, vm0, $0xb8;
	[tilespmem:$0x1C400] =	vst v63  }
0x27: {  	_ = 	snop  }
0x28: {  	[tilespmem:s8], [sflag:$0x1] =	stream.indirect_vreg.gather [hbm4b:s7+s3], $0x80, v4, vm1, $0xb8;
	[tilespmem:$0x1C400] =	vst v63  }
0x29: {  	_ = 	snop  }
0x2a: {  	[tilespmem:s9], [sflag:$0x1] =	stream.indirect_vreg.gather [hbm4b:s1+s3], $0x80, v3, vm0, $0xb8;
	[tilespmem:$0x1C400] =	vst v63  }
0x2b: {  	_ = 	snop  }
0x2c: {  	[tilespmem:s10], [sflag:$0x1] =	stream.indirect_vreg.gather [hbm4b:s5+s3], $0x80, v3, vm0, $0xb8;
	[tilespmem:$0x1C400] =	vst v63  }
0x2d: {  	_ = 	snop  }
0x2e: {  	[tilespmem:s13], [sflag:$0x1] =	stream.indirect_vreg.gather [hbm4b:s6+s3], $0x80, v3, vm0, $0xb8;
	[tilespmem:$0x1C400] =	vst v63  }
0x2f: {  	_ = 	snop  }
0x30: {  	[tilespmem:s14], [sflag:$0x1] =	stream.indirect_vreg.gather [hbm4b:s7+s3], $0x80, v3, vm1, $0xb8;
	[tilespmem:$0x1C400] =	vst v63  }
0x31: {  	v3 =	vld [tilespmem:$0x10];
	_ =	sdelay $0x4  }
0x32: {  	v57 =	vshrl.u32 v3, $0x3  }
0x33: {  	v4 =	vmul.u32 $0x38, v57  }
0x34: {  	v3 =	vand.u32 $0x7, v3  }
0x35: {  	v3 =	vor.u32 v3, v4  }
0x36: {  	v4 =	vperm.xlane v3, v0;
	_ =	sdelay $0x1  }
0x37: {  	v4 =	vadd.s32 v1, v4;
	_ =	sdelay $0x4  }
0x38: {  	[tilespmem:s15], [sflag:$0x1] =	stream.indirect_vreg.gather [hbm4b:s1+s3], $0x80, v4, vm0, $0xb8;
	[tilespmem:$0x1C400] =	vst v63  }
0x39: {  	v3 =	vperm.xlane v3, v2  }
0x3a: {  	[tilespmem:s16], [sflag:$0x1] =	stream.indirect_vreg.gather [hbm4b:s5+s3], $0x80, v4, vm0, $0xb8;
	[tilespmem:$0x1C400] =	vst v63  }
0x3b: {  	v3 =	vadd.s32 v1, v3  }
0x3c: {  	[tilespmem:s17], [sflag:$0x1] =	stream.indirect_vreg.gather [hbm4b:s6+s3], $0x80, v4, vm0, $0xb8;
	[tilespmem:$0x1C400] =	vst v63  }
0x3d: {  	_ = 	snop  }
0x3e: {  	[tilespmem:s18], [sflag:$0x1] =	stream.indirect_vreg.gather [hbm4b:s7+s3], $0x80, v4, vm1, $0xb8;
	[tilespmem:$0x1C400] =	vst v63  }
0x3f: {  	_ = 	snop  }
0x40: {  	[tilespmem:s19], [sflag:$0x1] =	stream.indirect_vreg.gather [hbm4b:s1+s3], $0x80, v3, vm0, $0xb8;
	[tilespmem:$0x1C400] =	vst v63  }
0x41: {  	_ = 	snop  }
0x42: {  	[tilespmem:s21], [sflag:$0x1] =	stream.indirect_vreg.gather [hbm4b:s5+s3], $0x80, v3, vm0, $0xb8;
	[tilespmem:$0x1C400] =	vst v63  }
0x43: {  	_ = 	snop  }
0x44: {  	[tilespmem:s22], [sflag:$0x1] =	stream.indirect_vreg.gather [hbm4b:s6+s3], $0x80, v3, vm0, $0xb8;
	[tilespmem:$0x1C400] =	vst v63  }
0x45: {  	_ = 	snop  }
0x46: {  	[tilespmem:s23], [sflag:$0x1] =	stream.indirect_vreg.gather [hbm4b:s7+s3], $0x80, v3, vm1, $0xb8;
	[tilespmem:$0x1C400] =	vst v63  }
0x47: {  	v3 =	vld [tilespmem:$0x20];
	_ =	sdelay $0x4  }
0x48: {  	v58 =	vshrl.u32 v3, $0x3  }
0x49: {  	v4 =	vmul.u32 $0x38, v58  }
0x4a: {  	v3 =	vand.u32 $0x7, v3  }
0x4b: {  	v3 =	vor.u32 v3, v4  }
0x4c: {  	v4 =	vperm.xlane v3, v0;
	_ =	sdelay $0x1  }
0x4d: {  	v4 =	vadd.s32 v1, v4;
	_ =	sdelay $0x4  }
0x4e: {  	[tilespmem:s24], [sflag:$0x1] =	stream.indirect_vreg.gather [hbm4b:s1+s3], $0x80, v4, vm0, $0xb8;
	[tilespmem:$0x1C400] =	vst v63  }
0x4f: {  	v3 =	vperm.xlane v3, v2  }
0x50: {  	[tilespmem:s25], [sflag:$0x1] =	stream.indirect_vreg.gather [hbm4b:s5+s3], $0x80, v4, vm0, $0xb8;
	[tilespmem:$0x1C400] =	vst v63  }
0x51: {  	v3 =	vadd.s32 v1, v3  }
0x52: {  	[tilespmem:s26], [sflag:$0x1] =	stream.indirect_vreg.gather [hbm4b:s6+s3], $0x80, v4, vm0, $0xb8;
	[tilespmem:$0x1C400] =	vst v63  }
0x53: {  	s9 =	simm.s32 $0x8C00  }
0x54: {  	[tilespmem:s9], [sflag:$0x1] =	stream.indirect_vreg.gather [hbm4b:s7+s3], $0x80, v4, vm1, $0xb8;
	[tilespmem:$0x1C400] =	vst v63  }
0x55: {  	_ = 	snop  }
0x56: {  	[tilespmem:s28], [sflag:$0x1] =	stream.indirect_vreg.gather [hbm4b:s1+s3], $0x80, v3, vm0, $0xb8;
	[tilespmem:$0x1C400] =	vst v63  }
0x57: {  	_ = 	snop  }
0x58: {  	[tilespmem:s29], [sflag:$0x1] =	stream.indirect_vreg.gather [hbm4b:s5+s3], $0x80, v3, vm0, $0xb8;
	[tilespmem:$0x1C400] =	vst v63  }
0x59: {  	s10 =	simm.s32 $0xA000  }
0x5a: {  	[tilespmem:s10], [sflag:$0x1] =	stream.indirect_vreg.gather [hbm4b:s6+s3], $0x80, v3, vm0, $0xb8;
	[tilespmem:$0x1C400] =	vst v63  }
0x5b: {  	s12 =	simm.s32 $0xA800  }
0x5c: {  	[tilespmem:s12], [sflag:$0x1] =	stream.indirect_vreg.gather [hbm4b:s7+s3], $0x80, v3, vm1, $0xb8;
	[tilespmem:$0x1C400] =	vst v63  }
0x5d: {  	v3 =	vld [tilespmem:$0x30];
	_ =	sdelay $0x4  }
0x5e: {  	v59 =	vshrl.u32 v3, $0x3  }
0x5f: {  	v4 =	vmul.u32 $0x38, v59  }
0x60: {  	v3 =	vand.u32 $0x7, v3  }
0x61: {  	v3 =	vor.u32 v3, v4  }
0x62: {  	v4 =	vperm.xlane v3, v0;
	_ =	sdelay $0x1  }
0x63: {  	v4 =	vadd.s32 v1, v4;
	_ =	sdelay $0x3  }
0x64: {  	s13 =	simm.s32 $0xAC00  }
0x65: {  	[tilespmem:s13], [sflag:$0x1] =	stream.indirect_vreg.gather [hbm4b:s1+s3], $0x80, v4, vm0, $0xb8;
	[tilespmem:$0x1C400] =	vst v63  }
0x66: {  	s14 =	simm.s32 $0xB400;
	v3 =	vperm.xlane v3, v2  }
0x67: {  	[tilespmem:s14], [sflag:$0x1] =	stream.indirect_vreg.gather [hbm4b:s5+s3], $0x80, v4, vm0, $0xb8;
	[tilespmem:$0x1C400] =	vst v63  }
0x68: {  	s15 =	simm.s32 $0xBC00;
	v3 =	vadd.s32 v1, v3  }
0x69: {  	[tilespmem:s15], [sflag:$0x1] =	stream.indirect_vreg.gather [hbm4b:s6+s3], $0x80, v4, vm0, $0xb8;
	[tilespmem:$0x1C400] =	vst v63  }
0x6a: {  	s16 =	simm.s32 $0xC400  }
0x6b: {  	[tilespmem:s16], [sflag:$0x1] =	stream.indirect_vreg.gather [hbm4b:s7+s3], $0x80, v4, vm1, $0xb8;
	[tilespmem:$0x1C400] =	vst v63  }
0x6c: {  	s17 =	simm.s32 $0xC800  }
0x6d: {  	[tilespmem:s17], [sflag:$0x1] =	stream.indirect_vreg.gather [hbm4b:s1+s3], $0x80, v3, vm0, $0xb8;
	[tilespmem:$0x1C400] =	vst v63  }
0x6e: {  	s18 =	simm.s32 $0xD000  }
0x6f: {  	[tilespmem:s18], [sflag:$0x1] =	stream.indirect_vreg.gather [hbm4b:s5+s3], $0x80, v3, vm0, $0xb8;
	[tilespmem:$0x1C400] =	vst v63  }
0x70: {  	s19 =	simm.s32 $0xD800  }
0x71: {  	[tilespmem:s19], [sflag:$0x1] =	stream.indirect_vreg.gather [hbm4b:s6+s3], $0x80, v3, vm0, $0xb8;
	[tilespmem:$0x1C400] =	vst v63  }
0x72: {  	s20 =	simm.s32 $0xE000  }
0x73: {  	[tilespmem:s20], [sflag:$0x1] =	stream.indirect_vreg.gather [hbm4b:s7+s3], $0x80, v3, vm1, $0xb8;
	[tilespmem:$0x1C400] =	vst v63  }
0x74: {  	v3 =	vld [tilespmem:$0x40];
	_ =	sdelay $0x4  }
0x75: {  	v60 =	vshrl.u32 v3, $0x3  }
0x76: {  	v4 =	vmul.u32 $0x38, v60  }
0x77: {  	v3 =	vand.u32 $0x7, v3  }
0x78: {  	v3 =	vor.u32 v3, v4  }
0x79: {  	v4 =	vperm.xlane v3, v0;
	_ =	sdelay $0x1  }
0x7a: {  	v4 =	vadd.s32 v1, v4;
	_ =	sdelay $0x4  }
0x7b: {  	[tilespmem:s4], [sflag:$0x2] =	stream.indirect_vreg.gather [hbm4b:s1+s3], $0x80, v4, vm0, $0xb8;
	[tilespmem:$0x1C400] =	vst v63  }
0x7c: {  	s21 =	simm.s32 $0xEC00;
	v3 =	vperm.xlane v3, v2  }
0x7d: {  	[tilespmem:s21], [sflag:$0x2] =	stream.indirect_vreg.gather [hbm4b:s5+s3], $0x80, v4, vm0, $0xb8;
	[tilespmem:$0x1C400] =	vst v63  }
0x7e: {  	s22 =	simm.s32 $0xF400;
	v3 =	vadd.s32 v1, v3  }
0x7f: {  	[tilespmem:s22], [sflag:$0x2] =	stream.indirect_vreg.gather [hbm4b:s6+s3], $0x80, v4, vm0, $0xb8;
	[tilespmem:$0x1C400] =	vst v63  }
0x80: {  	s23 =	simm.s32 $0xFC00  }
0x81: {  	[tilespmem:s23], [sflag:$0x2] =	stream.indirect_vreg.gather [hbm4b:s7+s3], $0x80, v4, vm1, $0xb8;
	[tilespmem:$0x1C400] =	vst v63  }
0x82: {  	s24 =	simm.s32 $0x10000  }
0x83: {  	[tilespmem:s24], [sflag:$0x2] =	stream.indirect_vreg.gather [hbm4b:s1+s3], $0x80, v3, vm0, $0xb8;
	[tilespmem:$0x1C400] =	vst v63  }
0x84: {  	s25 =	simm.s32 $0x10800  }
0x85: {  	[tilespmem:s25], [sflag:$0x2] =	stream.indirect_vreg.gather [hbm4b:s5+s3], $0x80, v3, vm0, $0xb8;
	[tilespmem:$0x1C400] =	vst v63  }
0x86: {  	s26 =	simm.s32 $0x11000  }
0x87: {  	[tilespmem:s26], [sflag:$0x2] =	stream.indirect_vreg.gather [hbm4b:s6+s3], $0x80, v3, vm0, $0xb8;
	[tilespmem:$0x1C400] =	vst v63  }
0x88: {  	s2 =	simm.s32 $0x11800  }
0x89: {  	[tilespmem:s2], [sflag:$0x2] =	stream.indirect_vreg.gather [hbm4b:s7+s3], $0x80, v3, vm1, $0xb8;
	[tilespmem:$0x1C400] =	vst v63  }
0x8a: {  	v3 =	vld [tilespmem:$0x50];
	_ =	sdelay $0x4  }
0x8b: {  	v61 =	vshrl.u32 v3, $0x3  }
0x8c: {  	v4 =	vmul.u32 $0x38, v61  }
0x8d: {  	v3 =	vand.u32 $0x7, v3  }
0x8e: {  	v3 =	vor.u32 v3, v4  }
0x8f: {  	v4 =	vperm.xlane v3, v0;
	_ =	sdelay $0x1  }
0x90: {  	v4 =	vadd.s32 v1, v4;
	_ =	sdelay $0x3  }
0x91: {  	s4 =	simm.s32 $0x11C00  }
0x92: {  	[tilespmem:s4], [sflag:$0x2] =	stream.indirect_vreg.gather [hbm4b:s1+s3], $0x80, v4, vm0, $0xb8;
	[tilespmem:$0x1C400] =	vst v63  }
0x93: {  	s8 =	simm.s32 $0x12400;
	v3 =	vperm.xlane v3, v2  }
0x94: {  	[tilespmem:s8], [sflag:$0x2] =	stream.indirect_vreg.gather [hbm4b:s5+s3], $0x80, v4, vm0, $0xb8;
	[tilespmem:$0x1C400] =	vst v63  }
0x95: {  	s9 =	simm.s32 $0x12C00;
	v3 =	vadd.s32 v1, v3  }
0x96: {  	[tilespmem:s9], [sflag:$0x2] =	stream.indirect_vreg.gather [hbm4b:s6+s3], $0x80, v4, vm0, $0xb8;
	[tilespmem:$0x1C400] =	vst v63  }
0x97: {  	s10 =	simm.s32 $0x13400  }
0x98: {  	[tilespmem:s10], [sflag:$0x2] =	stream.indirect_vreg.gather [hbm4b:s7+s3], $0x80, v4, vm1, $0xb8;
	[tilespmem:$0x1C400] =	vst v63  }
0x99: {  	s12 =	simm.s32 $0x13800  }
0x9a: {  	[tilespmem:s12], [sflag:$0x2] =	stream.indirect_vreg.gather [hbm4b:s1+s3], $0x80, v3, vm0, $0xb8;
	[tilespmem:$0x1C400] =	vst v63  }
0x9b: {  	s13 =	simm.s32 $0x14000  }
0x9c: {  	[tilespmem:s13], [sflag:$0x2] =	stream.indirect_vreg.gather [hbm4b:s5+s3], $0x80, v3, vm0, $0xb8;
	[tilespmem:$0x1C400] =	vst v63  }
0x9d: {  	s14 =	simm.s32 $0x14800  }
0x9e: {  	[tilespmem:s14], [sflag:$0x2] =	stream.indirect_vreg.gather [hbm4b:s6+s3], $0x80, v3, vm0, $0xb8;
	[tilespmem:$0x1C400] =	vst v63  }
0x9f: {  	s15 =	simm.s32 $0x15000  }
0xa0: {  	[tilespmem:s15], [sflag:$0x2] =	stream.indirect_vreg.gather [hbm4b:s7+s3], $0x80, v3, vm1, $0xb8;
	[tilespmem:$0x1C400] =	vst v63  }
0xa1: {  	v3 =	vld [tilespmem:$0x60];
	_ =	sdelay $0x4  }
0xa2: {  	v62 =	vshrl.u32 v3, $0x3  }
0xa3: {  	v4 =	vmul.u32 $0x38, v62  }
0xa4: {  	v3 =	vand.u32 $0x7, v3  }
0xa5: {  	v3 =	vor.u32 v3, v4  }
0xa6: {  	v4 =	vperm.xlane v3, v0;
	_ =	sdelay $0x1  }
0xa7: {  	v4 =	vadd.s32 v1, v4;
	_ =	sdelay $0x3  }
0xa8: {  	s16 =	simm.s32 $0x15400  }
0xa9: {  	[tilespmem:s16], [sflag:$0x2] =	stream.indirect_vreg.gather [hbm4b:s1+s3], $0x80, v4, vm0, $0xb8;
	[tilespmem:$0x1C400] =	vst v63  }
0xaa: {  	s17 =	simm.s32 $0x15C00;
	v3 =	vperm.xlane v3, v2  }
0xab: {  	[tilespmem:s17], [sflag:$0x2] =	stream.indirect_vreg.gather [hbm4b:s5+s3], $0x80, v4, vm0, $0xb8;
	[tilespmem:$0x1C400] =	vst v63  }
0xac: {  	s18 =	simm.s32 $0x16400;
	v3 =	vadd.s32 v1, v3  }
0xad: {  	[tilespmem:s18], [sflag:$0x2] =	stream.indirect_vreg.gather [hbm4b:s6+s3], $0x80, v4, vm0, $0xb8;
	[tilespmem:$0x1C400] =	vst v63  }
0xae: {  	s19 =	simm.s32 $0x16C00  }
0xaf: {  	[tilespmem:s19], [sflag:$0x2] =	stream.indirect_vreg.gather [hbm4b:s7+s3], $0x80, v4, vm1, $0xb8;
	[tilespmem:$0x1C400] =	vst v63  }
0xb0: {  	s20 =	simm.s32 $0x17000  }
0xb1: {  	[tilespmem:s20], [sflag:$0x2] =	stream.indirect_vreg.gather [hbm4b:s1+s3], $0x80, v3, vm0, $0xb8;
	[tilespmem:$0x1C400] =	vst v63  }
0xb2: {  	s21 =	simm.s32 $0x17800  }
0xb3: {  	[tilespmem:s21], [sflag:$0x2] =	stream.indirect_vreg.gather [hbm4b:s5+s3], $0x80, v3, vm0, $0xb8;
	[tilespmem:$0x1C400] =	vst v63  }
0xb4: {  	s22 =	simm.s32 $0x18000  }
0xb5: {  	[tilespmem:s22], [sflag:$0x2] =	stream.indirect_vreg.gather [hbm4b:s6+s3], $0x80, v3, vm0, $0xb8;
	[tilespmem:$0x1C400] =	vst v63  }
0xb6: {  	s23 =	simm.s32 $0x18800  }
0xb7: {  	[tilespmem:s23], [sflag:$0x2] =	stream.indirect_vreg.gather [hbm4b:s7+s3], $0x80, v3, vm1, $0xb8;
	[tilespmem:$0x1C400] =	vst v63  }
0xb8: {  	v3 =	vld [tilespmem:$0x70];
	_ =	sdelay $0x4  }
0xb9: {  	v63 =	vshrl.u32 v3, $0x3  }
0xba: {  	v4 =	vmul.u32 $0x38, v63  }
0xbb: {  	v3 =	vand.u32 $0x7, v3  }
0xbc: {  	v3 =	vor.u32 v3, v4  }
0xbd: {  	v4 =	vperm.xlane v3, v0;
	_ =	sdelay $0x1  }
0xbe: {  	v4 =	vadd.s32 v1, v4;
	_ =	sdelay $0x3  }
0xbf: {  	s0 =	simm.s32 $0x0;
	s24 =	simm.s32 $0x18C00  }
0xc0: {  	[tilespmem:s24], [sflag:$0x2] =	stream.indirect_vreg.gather [hbm4b:s1+s3], $0x80, v4, vm0, $0xb8;
	[tilespmem:$0x1C400] =	vst v63  }
0xc1: {  	s28 =	simm.s32 $0x7C00;
	s29 =	simm.s32 $0x8400;
	s25 =	simm.s32 $0x19400;
	v3 =	vperm.xlane v3, v2  }
0xc2: {  	[tilespmem:s25], [sflag:$0x2] =	stream.indirect_vreg.gather [hbm4b:s5+s3], $0x80, v4, vm0, $0xb8;
	[tilespmem:$0x1C400] =	vst v63  }
0xc3: {  	s26 =	simm.s32 $0x19C00;
	s2 =	simm.s32 $0xF0;
	s8 =	simm.s32 $0x1B000;
	v3 =	vadd.s32 v1, v3  }
0xc4: {  	[tilespmem:s26], [sflag:$0x2] =	stream.indirect_vreg.gather [hbm4b:s6+s3], $0x80, v4, vm0, $0xb8;
	[tilespmem:$0x1C400] =	vst v63  }
0xc5: {  	s9 =	simm.s32 $0x1400;
	s12 =	simm.s32 $0x9000;
	s21 =	simm.s32 $0x1A400  }
0xc6: {  	[tilespmem:s21], [sflag:$0x2] =	stream.indirect_vreg.gather [hbm4b:s7+s3], $0x80, v4, vm1, $0xb8;
	[tilespmem:$0x1C400] =	vst v63  }
0xc7: {  	s13 =	simm.s32 $0x2000;
	s14 =	simm.s32 $0x1B800;
	s25 =	simm.s32 $0x1A800  }
0xc8: {  	[tilespmem:s25], [sflag:$0x2] =	stream.indirect_vreg.gather [hbm4b:s1+s3], $0x80, v3, vm0, $0xb8;
	[tilespmem:$0x1C400] =	vst v63  }
0xc9: {  	s15 =	simm.s32 $0x3000;
	s16 =	simm.s32 $0x9800;
	s17 =	simm.s32 $0x3C00  }
0xca: {  	[tilespmem:s8], [sflag:$0x2] =	stream.indirect_vreg.gather [hbm4b:s5+s3], $0x80, v3, vm0, $0xb8;
	[tilespmem:$0x1C400] =	vst v63  }
0xcb: {  	s18 =	simm.s32 $0x1C000;
	s19 =	simm.s32 $0x4C00;
	s22 =	simm.s32 $0x5800  }
0xcc: {  	[tilespmem:s14], [sflag:$0x2] =	stream.indirect_vreg.gather [hbm4b:s6+s3], $0x80, v3, vm0, $0xb8;
	[tilespmem:$0x1C400] =	vst v63  }
0xcd: {  	s23 =	simm.s32 $0x6000;
	s24 =	simm.s32 $0x6800;
	s26 =	simm.s32 $0x7400  }
0xce: {  	[tilespmem:s18], [sflag:$0x2] =	stream.indirect_vreg.gather [hbm4b:s7+s3], $0x80, v3, vm1, $0xb8;
	[tilespmem:$0x1C400] =	vst v63  }
.LBB2_2:
0xcf: {  	_ =	swait.ge [sflag:s30], $0xE000  }
0xd0: {  	s4 =	rddreg [dreg:$0x4];
	[sflag:s30] =	ssyncset.done $0x0  }
0xd1: {  	s10 =	simm.s32 $0x400;
	[sflag:s30] =	ssyncadd.s32 $0xFFFF2000;
	s4 =	sadd.s32 s0, s4  }
0xd2: {  	[hbm4b:s4+s3] =	stream.linear.scatter [tilespmem:s10], [sflag:$0x3], $0xE000, $0x38;
	[tilespmem:$0x1C400] =	vst v63  }
0xd3: {  	_ =	swait.ge [sflag:s11], $0xE000  }
0xd4: {  	[sflag:s11] =	ssyncset.done $0x0  }
0xd5: {  	[sflag:s11] =	ssyncadd.s32 $0xFFFF2000  }
0xd6: {  	v3 =	vld [tilespmem:s2+$0xFFFFFF90];
	_ =	sdelay $0x4  }
0xd7: {  	v4 =	vshrl.u32 v3, $0x3  }
0xd8: {  	v4 =	vmul.u32 $0x38, v4  }
0xd9: {  	v3 =	vand.u32 $0x7, v3  }
0xda: {  	v3 =	vor.u32 v3, v4  }
0xdb: {  	v4 =	vperm.xlane v3, v0;
	_ =	sdelay $0x1  }
0xdc: {  	v4 =	vadd.s32 v1, v4;
	_ =	sdelay $0x4  }
0xdd: {  	[tilespmem:s10], [sflag:$0x1] =	stream.indirect_vreg.gather [hbm4b:s1+s3], $0x80, v4, vm0, $0xb8;
	[tilespmem:$0x1C400] =	vst v63  }
0xde: {  	v3 =	vperm.xlane v3, v2;
	s10 =	simm.s32 $0xC00  }
0xdf: {  	[tilespmem:s10], [sflag:$0x1] =	stream.indirect_vreg.gather [hbm4b:s5+s3], $0x80, v4, vm0, $0xb8;
	[tilespmem:$0x1C400] =	vst v63  }
0xe0: {  	v3 =	vadd.s32 v1, v3  }
0xe1: {  	[tilespmem:s9], [sflag:$0x1] =	stream.indirect_vreg.gather [hbm4b:s6+s3], $0x80, v4, vm0, $0xb8;
	[tilespmem:$0x1C400] =	vst v63  }
0xe2: {  	s10 =	simm.s32 $0x1C00  }
0xe3: {  	[tilespmem:s10], [sflag:$0x1] =	stream.indirect_vreg.gather [hbm4b:s7+s3], $0x80, v4, vm1, $0xb8;
	[tilespmem:$0x1C400] =	vst v63  }
0xe4: {  	_ = 	snop  }
0xe5: {  	[tilespmem:s13], [sflag:$0x1] =	stream.indirect_vreg.gather [hbm4b:s1+s3], $0x80, v3, vm0, $0xb8;
	[tilespmem:$0x1C400] =	vst v63  }
0xe6: {  	s10 =	simm.s32 $0x2800  }
0xe7: {  	[tilespmem:s10], [sflag:$0x1] =	stream.indirect_vreg.gather [hbm4b:s5+s3], $0x80, v3, vm0, $0xb8;
	[tilespmem:$0x1C400] =	vst v63  }
0xe8: {  	_ = 	snop  }
0xe9: {  	[tilespmem:s15], [sflag:$0x1] =	stream.indirect_vreg.gather [hbm4b:s6+s3], $0x80, v3, vm0, $0xb8;
	[tilespmem:$0x1C400] =	vst v63  }
0xea: {  	s10 =	simm.s32 $0x3800  }
0xeb: {  	[tilespmem:s10], [sflag:$0x1] =	stream.indirect_vreg.gather [hbm4b:s7+s3], $0x80, v3, vm1, $0xb8;
	[tilespmem:$0x1C400] =	vst v63  }
0xec: {  	v3 =	vld [tilespmem:s2+$0xFFFFFFA0];
	_ =	sdelay $0x4  }
0xed: {  	v57 =	vshrl.u32 v3, $0x3  }
0xee: {  	v4 =	vmul.u32 $0x38, v57  }
0xef: {  	v3 =	vand.u32 $0x7, v3  }
0xf0: {  	v3 =	vor.u32 v3, v4  }
0xf1: {  	v4 =	vperm.xlane v3, v0;
	_ =	sdelay $0x1  }
0xf2: {  	v4 =	vadd.s32 v1, v4;
	_ =	sdelay $0x4  }
0xf3: {  	[tilespmem:s17], [sflag:$0x1] =	stream.indirect_vreg.gather [hbm4b:s1+s3], $0x80, v4, vm0, $0xb8;
	[tilespmem:$0x1C400] =	vst v63  }
0xf4: {  	s10 =	simm.s32 $0x4400;
	v3 =	vperm.xlane v3, v2  }
0xf5: {  	[tilespmem:s10], [sflag:$0x1] =	stream.indirect_vreg.gather [hbm4b:s5+s3], $0x80, v4, vm0, $0xb8;
	[tilespmem:$0x1C400] =	vst v63  }
0xf6: {  	v3 =	vadd.s32 v1, v3  }
0xf7: {  	[tilespmem:s19], [sflag:$0x1] =	stream.indirect_vreg.gather [hbm4b:s6+s3], $0x80, v4, vm0, $0xb8;
	[tilespmem:$0x1C400] =	vst v63  }
0xf8: {  	s10 =	simm.s32 $0x5400  }
0xf9: {  	[tilespmem:s10], [sflag:$0x1] =	stream.indirect_vreg.gather [hbm4b:s7+s3], $0x80, v4, vm1, $0xb8;
	[tilespmem:$0x1C400] =	vst v63  }
0xfa: {  	_ = 	snop  }
0xfb: {  	[tilespmem:s22], [sflag:$0x1] =	stream.indirect_vreg.gather [hbm4b:s1+s3], $0x80, v3, vm0, $0xb8;
	[tilespmem:$0x1C400] =	vst v63  }
0xfc: {  	_ = 	snop  }
0xfd: {  	[tilespmem:s23], [sflag:$0x1] =	stream.indirect_vreg.gather [hbm4b:s5+s3], $0x80, v3, vm0, $0xb8;
	[tilespmem:$0x1C400] =	vst v63  }
0xfe: {  	_ = 	snop  }
0xff: {  	[tilespmem:s24], [sflag:$0x1] =	stream.indirect_vreg.gather [hbm4b:s6+s3], $0x80, v3, vm0, $0xb8;
	[tilespmem:$0x1C400] =	vst v63  }
0x100: {  	s10 =	simm.s32 $0x7000  }
0x101: {  	[tilespmem:s10], [sflag:$0x1] =	stream.indirect_vreg.gather [hbm4b:s7+s3], $0x80, v3, vm1, $0xb8;
	[tilespmem:$0x1C400] =	vst v63  }
0x102: {  	v3 =	vld [tilespmem:s2+$0xFFFFFFB0];
	_ =	sdelay $0x4  }
0x103: {  	v58 =	vshrl.u32 v3, $0x3  }
0x104: {  	v4 =	vmul.u32 $0x38, v58  }
0x105: {  	v3 =	vand.u32 $0x7, v3  }
0x106: {  	v3 =	vor.u32 v3, v4  }
0x107: {  	v4 =	vperm.xlane v3, v0;
	_ =	sdelay $0x1  }
0x108: {  	v4 =	vadd.s32 v1, v4;
	_ =	sdelay $0x4  }
0x109: {  	[tilespmem:s26], [sflag:$0x1] =	stream.indirect_vreg.gather [hbm4b:s1+s3], $0x80, v4, vm0, $0xb8;
	[tilespmem:$0x1C400] =	vst v63  }
0x10a: {  	v3 =	vperm.xlane v3, v2  }
0x10b: {  	[tilespmem:s28], [sflag:$0x1] =	stream.indirect_vreg.gather [hbm4b:s5+s3], $0x80, v4, vm0, $0xb8;
	[tilespmem:$0x1C400] =	vst v63  }
0x10c: {  	v3 =	vadd.s32 v1, v3  }
0x10d: {  	[tilespmem:s29], [sflag:$0x1] =	stream.indirect_vreg.gather [hbm4b:s6+s3], $0x80, v4, vm0, $0xb8;
	[tilespmem:$0x1C400] =	vst v63  }
0x10e: {  	s10 =	simm.s32 $0x8C00  }
0x10f: {  	[tilespmem:s10], [sflag:$0x1] =	stream.indirect_vreg.gather [hbm4b:s7+s3], $0x80, v4, vm1, $0xb8;
	[tilespmem:$0x1C400] =	vst v63  }
0x110: {  	_ = 	snop  }
0x111: {  	[tilespmem:s12], [sflag:$0x1] =	stream.indirect_vreg.gather [hbm4b:s1+s3], $0x80, v3, vm0, $0xb8;
	[tilespmem:$0x1C400] =	vst v63  }
0x112: {  	_ = 	snop  }
0x113: {  	[tilespmem:s16], [sflag:$0x1] =	stream.indirect_vreg.gather [hbm4b:s5+s3], $0x80, v3, vm0, $0xb8;
	[tilespmem:$0x1C400] =	vst v63  }
0x114: {  	s10 =	simm.s32 $0xA000  }
0x115: {  	[tilespmem:s10], [sflag:$0x1] =	stream.indirect_vreg.gather [hbm4b:s6+s3], $0x80, v3, vm0, $0xb8;
	[tilespmem:$0x1C400] =	vst v63  }
0x116: {  	s10 =	simm.s32 $0xA800  }
0x117: {  	[tilespmem:s10], [sflag:$0x1] =	stream.indirect_vreg.gather [hbm4b:s7+s3], $0x80, v3, vm1, $0xb8;
	[tilespmem:$0x1C400] =	vst v63  }
0x118: {  	v3 =	vld [tilespmem:s2+$0xFFFFFFC0];
	_ =	sdelay $0x4  }
0x119: {  	v59 =	vshrl.u32 v3, $0x3  }
0x11a: {  	v4 =	vmul.u32 $0x38, v59  }
0x11b: {  	v3 =	vand.u32 $0x7, v3  }
0x11c: {  	v3 =	vor.u32 v3, v4  }
0x11d: {  	v4 =	vperm.xlane v3, v0;
	_ =	sdelay $0x1  }
0x11e: {  	v4 =	vadd.s32 v1, v4;
	_ =	sdelay $0x3  }
0x11f: {  	s10 =	simm.s32 $0xAC00  }
0x120: {  	[tilespmem:s10], [sflag:$0x1] =	stream.indirect_vreg.gather [hbm4b:s1+s3], $0x80, v4, vm0, $0xb8;
	[tilespmem:$0x1C400] =	vst v63  }
0x121: {  	v3 =	vperm.xlane v3, v2;
	s10 =	simm.s32 $0xB400  }
0x122: {  	[tilespmem:s10], [sflag:$0x1] =	stream.indirect_vreg.gather [hbm4b:s5+s3], $0x80, v4, vm0, $0xb8;
	[tilespmem:$0x1C400] =	vst v63  }
0x123: {  	v3 =	vadd.s32 v1, v3;
	s10 =	simm.s32 $0xBC00  }
0x124: {  	[tilespmem:s10], [sflag:$0x1] =	stream.indirect_vreg.gather [hbm4b:s6+s3], $0x80, v4, vm0, $0xb8;
	[tilespmem:$0x1C400] =	vst v63  }
0x125: {  	s10 =	simm.s32 $0xC400  }
0x126: {  	[tilespmem:s10], [sflag:$0x1] =	stream.indirect_vreg.gather [hbm4b:s7+s3], $0x80, v4, vm1, $0xb8;
	[tilespmem:$0x1C400] =	vst v63  }
0x127: {  	s10 =	simm.s32 $0xC800  }
0x128: {  	[tilespmem:s10], [sflag:$0x1] =	stream.indirect_vreg.gather [hbm4b:s1+s3], $0x80, v3, vm0, $0xb8;
	[tilespmem:$0x1C400] =	vst v63  }
0x129: {  	s10 =	simm.s32 $0xD000  }
0x12a: {  	[tilespmem:s10], [sflag:$0x1] =	stream.indirect_vreg.gather [hbm4b:s5+s3], $0x80, v3, vm0, $0xb8;
	[tilespmem:$0x1C400] =	vst v63  }
0x12b: {  	s10 =	simm.s32 $0xD800  }
0x12c: {  	[tilespmem:s10], [sflag:$0x1] =	stream.indirect_vreg.gather [hbm4b:s6+s3], $0x80, v3, vm0, $0xb8;
	[tilespmem:$0x1C400] =	vst v63  }
0x12d: {  	s10 =	simm.s32 $0xE000  }
0x12e: {  	[tilespmem:s10], [sflag:$0x1] =	stream.indirect_vreg.gather [hbm4b:s7+s3], $0x80, v3, vm1, $0xb8;
	[tilespmem:$0x1C400] =	vst v63  }
0x12f: {  	_ =	swait.ge [sflag:s31], $0xE000  }
0x130: {  	[sflag:s31] =	ssyncset.done $0x0  }
0x131: {  	s4 =	sadd.s32 $0x1C00, s4;
	s10 =	simm.s32 $0xE400;
	[sflag:s31] =	ssyncadd.s32 $0xFFFF2000  }
0x132: {  	[hbm4b:s4+s3] =	stream.linear.scatter [tilespmem:s10], [sflag:$0x3], $0xE000, $0x38;
	[tilespmem:$0x1C400] =	vst v63  }
0x133: {  	_ =	swait.ge [sflag:s11], $0xE000  }
0x134: {  	[sflag:s11] =	ssyncset.done $0x0  }
0x135: {  	[sflag:s11] =	ssyncadd.s32 $0xFFFF2000  }
0x136: {  	v3 =	vld [tilespmem:s2+$0xFFFFFFD0];
	_ =	sdelay $0x4  }
0x137: {  	v60 =	vshrl.u32 v3, $0x3  }
0x138: {  	v4 =	vmul.u32 $0x38, v60  }
0x139: {  	v3 =	vand.u32 $0x7, v3  }
0x13a: {  	v3 =	vor.u32 v3, v4  }
0x13b: {  	v4 =	vperm.xlane v3, v0;
	_ =	sdelay $0x1  }
0x13c: {  	v4 =	vadd.s32 v1, v4;
	_ =	sdelay $0x4  }
0x13d: {  	[tilespmem:s10], [sflag:$0x2] =	stream.indirect_vreg.gather [hbm4b:s1+s3], $0x80, v4, vm0, $0xb8;
	[tilespmem:$0x1C400] =	vst v63  }
0x13e: {  	v3 =	vperm.xlane v3, v2;
	s10 =	simm.s32 $0xEC00  }
0x13f: {  	[tilespmem:s10], [sflag:$0x2] =	stream.indirect_vreg.gather [hbm4b:s5+s3], $0x80, v4, vm0, $0xb8;
	[tilespmem:$0x1C400] =	vst v63  }
0x140: {  	v3 =	vadd.s32 v1, v3;
	s10 =	simm.s32 $0xF400  }
0x141: {  	[tilespmem:s10], [sflag:$0x2] =	stream.indirect_vreg.gather [hbm4b:s6+s3], $0x80, v4, vm0, $0xb8;
	[tilespmem:$0x1C400] =	vst v63  }
0x142: {  	s10 =	simm.s32 $0xFC00  }
0x143: {  	[tilespmem:s10], [sflag:$0x2] =	stream.indirect_vreg.gather [hbm4b:s7+s3], $0x80, v4, vm1, $0xb8;
	[tilespmem:$0x1C400] =	vst v63  }
0x144: {  	s10 =	simm.s32 $0x10000  }
0x145: {  	[tilespmem:s10], [sflag:$0x2] =	stream.indirect_vreg.gather [hbm4b:s1+s3], $0x80, v3, vm0, $0xb8;
	[tilespmem:$0x1C400] =	vst v63  }
0x146: {  	s10 =	simm.s32 $0x10800  }
0x147: {  	[tilespmem:s10], [sflag:$0x2] =	stream.indirect_vreg.gather [hbm4b:s5+s3], $0x80, v3, vm0, $0xb8;
	[tilespmem:$0x1C400] =	vst v63  }
0x148: {  	s10 =	simm.s32 $0x11000  }
0x149: {  	[tilespmem:s10], [sflag:$0x2] =	stream.indirect_vreg.gather [hbm4b:s6+s3], $0x80, v3, vm0, $0xb8;
	[tilespmem:$0x1C400] =	vst v63  }
0x14a: {  	s10 =	simm.s32 $0x11800  }
0x14b: {  	[tilespmem:s10], [sflag:$0x2] =	stream.indirect_vreg.gather [hbm4b:s7+s3], $0x80, v3, vm1, $0xb8;
	[tilespmem:$0x1C400] =	vst v63  }
0x14c: {  	v3 =	vld [tilespmem:s2+$0xFFFFFFE0];
	_ =	sdelay $0x4  }
0x14d: {  	v61 =	vshrl.u32 v3, $0x3  }
0x14e: {  	v4 =	vmul.u32 $0x38, v61  }
0x14f: {  	v3 =	vand.u32 $0x7, v3  }
0x150: {  	v3 =	vor.u32 v3, v4  }
0x151: {  	v4 =	vperm.xlane v3, v0;
	_ =	sdelay $0x1  }
0x152: {  	v4 =	vadd.s32 v1, v4;
	_ =	sdelay $0x3  }
0x153: {  	s10 =	simm.s32 $0x11C00  }
0x154: {  	[tilespmem:s10], [sflag:$0x2] =	stream.indirect_vreg.gather [hbm4b:s1+s3], $0x80, v4, vm0, $0xb8;
	[tilespmem:$0x1C400] =	vst v63  }
0x155: {  	v3 =	vperm.xlane v3, v2;
	s10 =	simm.s32 $0x12400  }
0x156: {  	[tilespmem:s10], [sflag:$0x2] =	stream.indirect_vreg.gather [hbm4b:s5+s3], $0x80, v4, vm0, $0xb8;
	[tilespmem:$0x1C400] =	vst v63  }
0x157: {  	v3 =	vadd.s32 v1, v3;
	s10 =	simm.s32 $0x12C00  }
0x158: {  	[tilespmem:s10], [sflag:$0x2] =	stream.indirect_vreg.gather [hbm4b:s6+s3], $0x80, v4, vm0, $0xb8;
	[tilespmem:$0x1C400] =	vst v63  }
0x159: {  	s10 =	simm.s32 $0x13400  }
0x15a: {  	[tilespmem:s10], [sflag:$0x2] =	stream.indirect_vreg.gather [hbm4b:s7+s3], $0x80, v4, vm1, $0xb8;
	[tilespmem:$0x1C400] =	vst v63  }
0x15b: {  	s10 =	simm.s32 $0x13800  }
0x15c: {  	[tilespmem:s10], [sflag:$0x2] =	stream.indirect_vreg.gather [hbm4b:s1+s3], $0x80, v3, vm0, $0xb8;
	[tilespmem:$0x1C400] =	vst v63  }
0x15d: {  	s10 =	simm.s32 $0x14000  }
0x15e: {  	[tilespmem:s10], [sflag:$0x2] =	stream.indirect_vreg.gather [hbm4b:s5+s3], $0x80, v3, vm0, $0xb8;
	[tilespmem:$0x1C400] =	vst v63  }
0x15f: {  	s10 =	simm.s32 $0x14800  }
0x160: {  	[tilespmem:s10], [sflag:$0x2] =	stream.indirect_vreg.gather [hbm4b:s6+s3], $0x80, v3, vm0, $0xb8;
	[tilespmem:$0x1C400] =	vst v63  }
0x161: {  	s10 =	simm.s32 $0x15000  }
0x162: {  	[tilespmem:s10], [sflag:$0x2] =	stream.indirect_vreg.gather [hbm4b:s7+s3], $0x80, v3, vm1, $0xb8;
	[tilespmem:$0x1C400] =	vst v63  }
0x163: {  	v3 =	vld [tilespmem:s2+$0xFFFFFFF0];
	_ =	sdelay $0x4  }
0x164: {  	v62 =	vshrl.u32 v3, $0x3  }
0x165: {  	v4 =	vmul.u32 $0x38, v62  }
0x166: {  	v3 =	vand.u32 $0x7, v3  }
0x167: {  	v3 =	vor.u32 v3, v4  }
0x168: {  	v4 =	vperm.xlane v3, v0;
	_ =	sdelay $0x1  }
0x169: {  	v4 =	vadd.s32 v1, v4;
	_ =	sdelay $0x3  }
0x16a: {  	s10 =	simm.s32 $0x15400  }
0x16b: {  	[tilespmem:s10], [sflag:$0x2] =	stream.indirect_vreg.gather [hbm4b:s1+s3], $0x80, v4, vm0, $0xb8;
	[tilespmem:$0x1C400] =	vst v63  }
0x16c: {  	v3 =	vperm.xlane v3, v2;
	s10 =	simm.s32 $0x15C00  }
0x16d: {  	[tilespmem:s10], [sflag:$0x2] =	stream.indirect_vreg.gather [hbm4b:s5+s3], $0x80, v4, vm0, $0xb8;
	[tilespmem:$0x1C400] =	vst v63  }
0x16e: {  	v3 =	vadd.s32 v1, v3;
	s10 =	simm.s32 $0x16400  }
0x16f: {  	[tilespmem:s10], [sflag:$0x2] =	stream.indirect_vreg.gather [hbm4b:s6+s3], $0x80, v4, vm0, $0xb8;
	[tilespmem:$0x1C400] =	vst v63  }
0x170: {  	s10 =	simm.s32 $0x16C00  }
0x171: {  	[tilespmem:s10], [sflag:$0x2] =	stream.indirect_vreg.gather [hbm4b:s7+s3], $0x80, v4, vm1, $0xb8;
	[tilespmem:$0x1C400] =	vst v63  }
0x172: {  	s10 =	simm.s32 $0x17000  }
0x173: {  	[tilespmem:s10], [sflag:$0x2] =	stream.indirect_vreg.gather [hbm4b:s1+s3], $0x80, v3, vm0, $0xb8;
	[tilespmem:$0x1C400] =	vst v63  }
0x174: {  	s10 =	simm.s32 $0x17800  }
0x175: {  	[tilespmem:s10], [sflag:$0x2] =	stream.indirect_vreg.gather [hbm4b:s5+s3], $0x80, v3, vm0, $0xb8;
	[tilespmem:$0x1C400] =	vst v63  }
0x176: {  	s10 =	simm.s32 $0x18000  }
0x177: {  	[tilespmem:s10], [sflag:$0x2] =	stream.indirect_vreg.gather [hbm4b:s6+s3], $0x80, v3, vm0, $0xb8;
	[tilespmem:$0x1C400] =	vst v63  }
0x178: {  	s10 =	simm.s32 $0x18800  }
0x179: {  	[tilespmem:s10], [sflag:$0x2] =	stream.indirect_vreg.gather [hbm4b:s7+s3], $0x80, v3, vm1, $0xb8;
	[tilespmem:$0x1C400] =	vst v63  }
0x17a: {  	v3 =	vld [tilespmem:s2+$0x0];
	_ =	sdelay $0x4  }
0x17b: {  	v63 =	vshrl.u32 v3, $0x3  }
0x17c: {  	v4 =	vmul.u32 $0x38, v63  }
0x17d: {  	v3 =	vand.u32 $0x7, v3  }
0x17e: {  	v3 =	vor.u32 v3, v4  }
0x17f: {  	v4 =	vperm.xlane v3, v0;
	_ =	sdelay $0x1  }
0x180: {  	v4 =	vadd.s32 v1, v4;
	_ =	sdelay $0x3  }
0x181: {  	s10 =	simm.s32 $0x18C00  }
0x182: {  	[tilespmem:s10], [sflag:$0x2] =	stream.indirect_vreg.gather [hbm4b:s1+s3], $0x80, v4, vm0, $0xb8;
	[tilespmem:$0x1C400] =	vst v63  }
0x183: {  	v3 =	vperm.xlane v3, v2;
	s10 =	simm.s32 $0x19400  }
0x184: {  	[tilespmem:s10], [sflag:$0x2] =	stream.indirect_vreg.gather [hbm4b:s5+s3], $0x80, v4, vm0, $0xb8;
	[tilespmem:$0x1C400] =	vst v63  }
0x185: {  	v3 =	vadd.s32 v1, v3;
	s10 =	simm.s32 $0x19C00  }
0x186: {  	[tilespmem:s10], [sflag:$0x2] =	stream.indirect_vreg.gather [hbm4b:s6+s3], $0x80, v4, vm0, $0xb8;
	[tilespmem:$0x1C400] =	vst v63  }
0x187: {  	_ = 	snop  }
0x188: {  	[tilespmem:s21], [sflag:$0x2] =	stream.indirect_vreg.gather [hbm4b:s7+s3], $0x80, v4, vm1, $0xb8;
	[tilespmem:$0x1C400] =	vst v63  }
0x189: {  	_ = 	snop  }
0x18a: {  	[tilespmem:s25], [sflag:$0x2] =	stream.indirect_vreg.gather [hbm4b:s1+s3], $0x80, v3, vm0, $0xb8;
	[tilespmem:$0x1C400] =	vst v63  }
0x18b: {  	p0 =	sne.s32 s0, $0x15000  }
0x18c: {  	[tilespmem:s8], [sflag:$0x2] =	stream.indirect_vreg.gather [hbm4b:s5+s3], $0x80, v3, vm0, $0xb8;
	[tilespmem:$0x1C400] =	vst v63  }
.Ltmp0:
0x18d: {  	_ = 	snop;
	(pc) =	sbr.rel @p0 .LBB2_2-.Ltmp0, $4  }
0x18e: {  	s20 =	simm.s32 $0x400  }
0x18f: {  	[tilespmem:s14], [sflag:$0x2] =	stream.indirect_vreg.gather [hbm4b:s6+s3], $0x80, v3, vm0, $0xb8;
	[tilespmem:$0x1C400] =	vst v63  }
0x190: {  	s0 =	sadd.s32 $0x3800, s0;
	s4 =	simm.s32 $0xE400;
	s2 =	sadd.s32 $0x80, s2  }
0x191: {  	[tilespmem:s18], [sflag:$0x2] =	stream.indirect_vreg.gather [hbm4b:s7+s3], $0x80, v3, vm1, $0xb8;
	[tilespmem:$0x1C400] =	vst v63  }
0x192: {  	_ =	swait.ge [sflag:s30], $0xE000  }
0x193: {  	[sflag:s30] =	ssyncset.done $0x0  }
0x194: {  	s0 =	rddreg [dreg:$0x6];
	[sflag:s30] =	ssyncadd.s32 $0xFFFF2000  }
0x195: {  	[hbm4b:s0+s3] =	stream.linear.scatter [tilespmem:s20], [sflag:$0x3], $0xE000, $0x38;
	[tilespmem:$0x1C400] =	vst v63  }
0x196: {  	_ =	swait.ge [sflag:s11], $0xE000  }
0x197: {  	[sflag:s11] =	ssyncset.done $0x0  }
0x198: {  	[sflag:s11] =	ssyncadd.s32 $0xFFFF2000  }
0x199: {  	_ =	swait.ge [sflag:s31], $0xE000  }
0x19a: {  	s12 =	simm.s32 $0x1400;
	[sflag:s31] =	ssyncset.done $0x0  }
0x19b: {  	s8 =	simm.s32 $0x1C00;
	s25 =	rddreg [dreg:$0x7];
	[sflag:s31] =	ssyncadd.s32 $0xFFFF2000  }
0x19c: {  	[hbm4b:s25+s3] =	stream.linear.scatter [tilespmem:s4], [sflag:$0x3], $0xE000, $0x38;
	[tilespmem:$0x1C400] =	vst v63  }
0x19d: {  	s9 =	simm.s32 $0x2000;
	s10 =	simm.s32 $0x2800;
	_ =	swait.ge [sflag:s11], $0xE000  }
0x19e: {  	s13 =	simm.s32 $0x3000;
	s14 =	simm.s32 $0x3800;
	s2 =	rddreg [dreg:$0x9]  }
0x19f: {  	s15 =	simm.s32 $0x3C00;
	s26 =	rddreg [dreg:$0x8];
	s2 =	sadd.s32 $0x1, s2  }
0x1a0: {  	s16 =	simm.s32 $0x4400;
	s17 =	simm.s32 $0x4C00;
	p0 =	sne.s32 s2, s26  }
.Ltmp1:
0x1a1: {  	s18 =	simm.s32 $0x5400;
	s19 =	simm.s32 $0x5800;
	(pc) =	sbr.rel @p0 .LBB2_1-.Ltmp1, $4  }
0x1a2: {  	s21 =	simm.s32 $0x6000;
	s22 =	simm.s32 $0x6800;
	s23 =	simm.s32 $0x7000  }
0x1a3: {  	s24 =	simm.s32 $0x7400;
	s28 =	simm.s32 $0x9000;
	[sflag:s11] =	ssyncset.done $0x0  }
0x1a4: {  	s29 =	simm.s32 $0x9800;
	s25 =	simm.s32 $0x7C00;
	[sflag:s11] =	ssyncadd.s32 $0xFFFF2000  }
0x1a5: {  	[dreg:$0x9] =	wrdreg s2;
	s2 =	simm.s32 $0xC00;
	s26 =	simm.s32 $0x8400  }
0x1a6: {  	_ =	sfence.sel $0x180000  }
0x1a7: {  	[bflag:$0x0] =	sbarrier.arrive $0xFFFF  }
0x1a8: {  	_ =	strace $0x90000047  }
0x1a9: {  	s0 =	stileid.u32;
	[bflag:$0x2] =	sbarrier.arrive $0xFFFF  }
0x1aa: {  	p0 =	sne.s32 s0, $0x0;
	s0 =	rddreg [dreg:$0x3]  }
0x1ab: {  	s0 =	sadd.s32 @!p0 $0x100000, s0  }
0x1ac: {  	[sflag:s0] =	ssyncadd.tile.s32 @!p0 $0x1;
	_ =	shalt  }
.Lfunc_end2:
_tile_overlayer_lowered:
.L_overlay_start_2:
0x1ad: {  	(tag) =	ssettag $0x2  }
0x1ae: {  	s0 =	rddreg [dreg:$0x0];
	s2 =	stileid.u32  }
0x1af: {  	s1 =	rddreg [dreg:$0x1];
	p0 =	sne.s32 s2, $0x0  }
0x1b0: {  	s3 =	rddreg [dreg:$0x2];
	[bflag:$0x3] =	sbarrier.arrive $0xFFFF;
	s2 =	simm.s32 @!p0 $0x1C03  }
0x1b1: {  	[timem:s3], [sflag:s2] =	dma.local @!p0 [hbm:s0], s1  }
0x1b2: {  	s0 =	simm.s32 @!p0 $0x3  }
0x1b3: {  	_ =	swait.ge @!p0 [sflag:s0], s1  }
0x1b4: {  	s1 =	ssub.s32 @!p0 $0x0, s1;
	[sflag:s0] =	ssyncset.done @!p0 $0x0  }
0x1b5: {  	[sflag:s0] =	ssyncadd.s32 @!p0 s1  }
0x1b6: {  	[bflag:$0x3] =	sbarrier.arrive $0xFFFF  }
0x1b7: {  	_ =	shalt  }

</sc_bundles>
